<compile_context>
chip_gen: v7x
topology: tpu7x:2x2x1
jax: 0.10.2.dev20260603
libtpu: 0.0.44.dev20260713+nightly
codegen_flags: <defaults>
</compile_context>

<pallas_src>
import functools

import jax
import jax.numpy as jnp
from jax import lax
from jax.experimental import pallas as pl
from jax.experimental.pallas import tpu as pltpu
from jax.experimental.pallas import tpu_sc as plsc

E = 64
D_MODEL = 768
D_INNER = 256
T = 2048
BLK = 128
NB_MAX = (2 * T) // BLK + E - 1
P_MAX = NB_MAX * BLK
NW = 32
LANES = 16



def _route_body(x_ref, gw_ref, gb_ref, eb_ref,
                px_ref, v0_ref, v1_ref, bc_ref, be_ref, nb_ref):
    x = x_ref[...]
    logits = jnp.dot(x, gw_ref[...], preferred_element_type=jnp.float32)
    logits = logits + gb_ref[...]
    mx = jnp.max(logits, axis=1, keepdims=True)
    ex = jnp.exp(logits - mx)
    probs = ex / jnp.sum(ex, axis=1, keepdims=True)

    iota = lax.broadcasted_iota(jnp.int32, probs.shape, 1)
    m0 = jnp.max(probs, axis=1, keepdims=True)
    i0 = jnp.min(jnp.where(probs == m0, iota, E), axis=1, keepdims=True)
    masked = jnp.where(iota == i0, -jnp.inf, probs)
    m1 = jnp.max(masked, axis=1, keepdims=True)
    i1 = jnp.min(jnp.where(masked == m1, iota, E), axis=1, keepdims=True)

    o0 = (iota == i0).astype(jnp.float32)
    o1 = (iota == i1).astype(jnp.float32)
    ob = o0 + o1

    counts = jnp.sum(ob, axis=0, keepdims=True)
    nblk = jnp.floor((counts + (BLK - 1)) * (1.0 / BLK))

    cum = nblk
    sh = 1
    while sh < E:
        cum = cum + jnp.concatenate(
            [jnp.zeros((1, sh), jnp.float32), cum[:, :E - sh]], axis=1)
        sh *= 2
    po = (cum - nblk) * BLK
    nbl = jnp.sum(nblk)

    c = ob
    sh = 1
    while sh < T:
        c = c + jnp.concatenate(
            [jnp.zeros((sh, E), jnp.float32), c[:T - sh, :]], axis=0)
        sh *= 2
    rc = c - ob

    dest = po + rc
    p0 = jnp.sum(o0 * dest, axis=1, keepdims=True)
    p1 = jnp.sum(o1 * dest, axis=1, keepdims=True)
    px_ref[...] = jnp.concatenate(
        [p0.reshape(NW // 2, BLK), p1.reshape(NW // 2, BLK)],
        axis=0).astype(jnp.int32)
    v0_ref[...] = jnp.broadcast_to(m0 * 0.5, (T, LANES))
    v1_ref[...] = jnp.broadcast_to(m1 * 0.5, (T, LANES))

    sel = o0 * (m0 * 0.5) + o1 * (m1 * 0.5)
    bc_ref[...] = jnp.dot(sel, eb_ref[...], preferred_element_type=jnp.float32)

    ii = lax.broadcasted_iota(jnp.int32, (128, 1), 0).astype(jnp.float32)
    iic = jnp.minimum(ii, nbl - 1.0)
    mte = (jnp.broadcast_to(cum, (128, E)) <= iic).astype(jnp.float32)
    be_ref[...] = jnp.sum(mte, axis=1, keepdims=True).astype(jnp.int32)
    nb_ref[0, 0] = nbl.astype(jnp.int32)


def _route(x, gate_w, gb2, expert_biases):
    return pl.pallas_call(
        _route_body,
        grid=(1,),
        in_specs=[
            pl.BlockSpec((T, D_MODEL), lambda i: (0, 0)),
            pl.BlockSpec((D_MODEL, E), lambda i: (0, 0)),
            pl.BlockSpec((1, E), lambda i: (0, 0)),
            pl.BlockSpec((E, D_INNER), lambda i: (0, 0)),
        ],
        out_specs=[
            pl.BlockSpec((NW, BLK), lambda i: (0, 0)),
            pl.BlockSpec((T, LANES), lambda i: (0, 0)),
            pl.BlockSpec((T, LANES), lambda i: (0, 0)),
            pl.BlockSpec((T, D_INNER), lambda i: (0, 0)),
            pl.BlockSpec((128, 1), lambda i: (0, 0)),
            pl.BlockSpec(memory_space=pltpu.SMEM),
        ],
        out_shape=[
            jax.ShapeDtypeStruct((NW, BLK), jnp.int32),
            jax.ShapeDtypeStruct((T, LANES), jnp.float32),
            jax.ShapeDtypeStruct((T, LANES), jnp.float32),
            jax.ShapeDtypeStruct((T, D_INNER), jnp.float32),
            jax.ShapeDtypeStruct((128, 1), jnp.int32),
            jax.ShapeDtypeStruct((1, 1), jnp.int32),
        ],
    )(x, gate_w, gb2, expert_biases)



def _sc_scatter_body(x_hbm, px_hbm, xs_hbm, idx_v, rows_v, sem):
    wid = lax.axis_index("s") * 2 + lax.axis_index("c")
    t0 = (wid % 16) * 128
    pltpu.sync_copy(px_hbm.at[wid], idx_v)
    pltpu.sync_copy(x_hbm.at[pl.ds(t0, 128)], rows_v)
    pltpu.async_copy(rows_v, xs_hbm.at[idx_v], sem).wait()


def _sc_scatter(x, px):
    mesh = plsc.VectorSubcoreMesh(core_axis_name="c", subcore_axis_name="s")
    fn = functools.partial(
        pl.kernel,
        mesh=mesh,
        out_type=jax.ShapeDtypeStruct((P_MAX, D_MODEL), jnp.float32),
        scratch_types=[
            pltpu.VMEM((128,), jnp.int32),
            pltpu.VMEM((128, D_MODEL), jnp.float32),
            pltpu.SemaphoreType.DMA,
        ],
    )(_sc_scatter_body)
    return fn(x, px)



def _gmm_body(nb_ref, be_ref, xs_ref, w_ref, y_ref):
    @pl.when(pl.program_id(0) < nb_ref[0, 0])
    def _():
        y_ref[...] = jnp.dot(xs_ref[...], w_ref[0],
                             preferred_element_type=jnp.float32)


def _gmm(nb, be, xs, expert_weights):
    grid_spec = pltpu.PrefetchScalarGridSpec(
        num_scalar_prefetch=2,
        grid=(NB_MAX,),
        in_specs=[
            pl.BlockSpec((BLK, D_MODEL),
                         lambda i, nb, be: (jnp.minimum(i, nb[0, 0] - 1), 0)),
            pl.BlockSpec((1, D_MODEL, D_INNER),
                         lambda i, nb, be: (be[i, 0], 0, 0)),
        ],
        out_specs=pl.BlockSpec((BLK, D_INNER),
                               lambda i, nb, be: (jnp.minimum(i, nb[0, 0] - 1),
                                                  0)),
    )
    return pl.pallas_call(
        _gmm_body,
        grid_spec=grid_spec,
        out_shape=jax.ShapeDtypeStruct((P_MAX, D_INNER), jnp.float32),
        compiler_params=pltpu.CompilerParams(
            dimension_semantics=("arbitrary",),
        ),
    )(nb, be, xs, expert_weights)



def _sc_combine_body(y_hbm, px_hbm, v0b_hbm, v1b_hbm, bc_hbm, out_hbm,
                     idx0_v, idx1_v, v0_v, v1_v, y0_v, y1_v, bc_v, out_v, sem):
    wid = lax.axis_index("s") * 2 + lax.axis_index("c")
    t0 = wid * 64
    row = wid // 2
    half = (wid % 2) * 64
    pltpu.sync_copy(px_hbm.at[row, pl.ds(half, 64)], idx0_v)
    pltpu.sync_copy(px_hbm.at[16 + row, pl.ds(half, 64)], idx1_v)
    pltpu.sync_copy(v0b_hbm.at[pl.ds(t0, 64)], v0_v)
    pltpu.sync_copy(v1b_hbm.at[pl.ds(t0, 64)], v1_v)
    pltpu.sync_copy(bc_hbm.at[pl.ds(t0, 64)], bc_v)
    cp0 = pltpu.async_copy(y_hbm.at[idx0_v], y0_v, sem)
    cp1 = pltpu.async_copy(y_hbm.at[idx1_v], y1_v, sem)
    cp0.wait()
    cp1.wait()

    def body(i, carry):
        s0 = v0_v[i]
        s1 = v1_v[i]
        for cidx in range(D_INNER // LANES):
            sl = pl.ds(cidx * LANES, LANES)
            out_v[i, sl] = (y0_v[i, sl] * s0 + y1_v[i, sl] * s1
                            + bc_v[i, sl])
        return carry

    lax.fori_loop(0, 64, body, 0)
    pltpu.sync_copy(out_v, out_hbm.at[pl.ds(t0, 64)])


def _sc_combine(y, px, v0b, v1b, bc):
    mesh = plsc.VectorSubcoreMesh(core_axis_name="c", subcore_axis_name="s")
    fn = functools.partial(
        pl.kernel,
        mesh=mesh,
        out_type=jax.ShapeDtypeStruct((T, D_INNER), jnp.float32),
        scratch_types=[
            pltpu.VMEM((64,), jnp.int32),
            pltpu.VMEM((64,), jnp.int32),
            pltpu.VMEM((64, LANES), jnp.float32),
            pltpu.VMEM((64, LANES), jnp.float32),
            pltpu.VMEM((64, D_INNER), jnp.float32),
            pltpu.VMEM((64, D_INNER), jnp.float32),
            pltpu.VMEM((64, D_INNER), jnp.float32),
            pltpu.VMEM((64, D_INNER), jnp.float32),
            pltpu.SemaphoreType.DMA,
        ],
    )(_sc_combine_body)
    return fn(y, px, v0b, v1b, bc)



def kernel(sequences, expert_weights, expert_biases, gate_w, gate_b):
    n, s, d = sequences.shape
    x = sequences.reshape(n * s, d)
    gb2 = gate_b.reshape(1, E)

    px, v0b, v1b, bc, be, nb = _route(x, gate_w, gb2, expert_biases)
    xs = _sc_scatter(x, px)
    y = _gmm(nb, be, xs, expert_weights)
    out = _sc_combine(y, px, v0b, v1b, bc)
    return out.reshape(n, s, D_INNER)

# --- scband reference (transcript-rebuilt; emitter-appended) ---
"""Pipeline reference for scband-unified-expert-mo-e-40209483825892 (READ-ONLY COPY).

The authoritative reference and input builder live on the scoring server;
editing this copy changes nothing except your own understanding.
"""

import jax, jax.numpy as jnp
import numpy as np

N_EXPERTS = 64
TOP_K = 2
D_MODEL = 768
D_INNER = 256
B = 1
S = 2048


def setup_inputs(seed: int = 0) -> dict:
    key = jax.random.key(seed)
    k1, k2, k3, k4 = jax.random.split(key, 4)
    sequences = jax.random.normal(k1, (B, S, D_MODEL), dtype=jnp.float32)
    # xavier_uniform_ on [n_experts, d_model, d_inner]: fan_in = d_model*d_inner, fan_out = n_experts*d_inner
    fan_in = D_MODEL * D_INNER
    fan_out = N_EXPERTS * D_INNER
    bound = float(np.sqrt(6.0 / (fan_in + fan_out)))
    expert_weights = jax.random.uniform(k2, (N_EXPERTS, D_MODEL, D_INNER), minval=-bound, maxval=bound, dtype=jnp.float32)
    expert_biases = jnp.zeros((N_EXPERTS, D_INNER), dtype=jnp.float32)
    # nn.Linear default init: U(-1/sqrt(fan_in), 1/sqrt(fan_in)); stored as [d_model, n_experts] (pre-transposed)
    gb = float(1.0 / np.sqrt(D_MODEL))
    gate_w = jax.random.uniform(k3, (D_MODEL, N_EXPERTS), minval=-gb, maxval=gb, dtype=jnp.float32)
    gate_b = jax.random.uniform(k4, (N_EXPERTS,), minval=-gb, maxval=gb, dtype=jnp.float32)
    return {"sequences": sequences, "expert_weights": expert_weights, "expert_biases": expert_biases, "gate_w": gate_w, "gate_b": gate_b}


def reference(sequences, expert_weights, expert_biases, gate_w, gate_b):
    N, P, D = sequences.shape
    d_inner = expert_biases.shape[-1]
    x = sequences.reshape(-1, D)
    gating_scores = jax.nn.softmax(jnp.dot(x, gate_w) + gate_b, axis=-1)
    top_k_values, top_k_indices = jax.lax.top_k(gating_scores, TOP_K)
    output = jnp.zeros((N * P, d_inner), dtype=jnp.float32)
    for i in range(TOP_K):
        selected_weights = expert_weights[top_k_indices[:, i]]  # gather: [N*P, d_model, d_inner]
        selected_biases = expert_biases[top_k_indices[:, i]]    # gather: [N*P, d_inner]
        # bmm(x.unsqueeze(1), W).squeeze(1) == einsum('td,tdi->ti')
        expert_output = jnp.einsum('td,tdi->ti', x, selected_weights) + selected_biases
        output = output + expert_output * top_k_values[:, i][:, None]
    output = output / TOP_K
    return output.reshape(N, P, -1)

if __name__ == "__main__":
    import jax
    _d = setup_inputs()
    print(jax.jit(kernel)(*tuple(_d.values())))

</pallas_src>

<mosaic_0001>
#map = affine_map<(d0, d1) -> (0, 0)>
module attributes {stable_mosaic.version = 14 : i64} {
  func.func @_sc_scatter_body(%arg0: i32, %arg1: i32, %arg2: memref<2048x768xf32, #tpu.memory_space<hbm>>, %arg3: memref<32x128xi32, #tpu.memory_space<hbm>>, %arg4: memref<12160x768xf32, #tpu.memory_space<hbm>>, %arg5: memref<128xi32, #tpu.memory_space<vmem>>, %arg6: memref<128x768xf32, #tpu.memory_space<vmem>>, %arg7: memref<!tpu.dma_semaphore, #tpu.memory_space<semaphore_mem>>) attributes {dimension_semantics = [#tpu.dimension_semantics<core_parallel>, #tpu.dimension_semantics<subcore_parallel>], iteration_bounds = array<i64: 2, 16>, scalar_prefetch = 0 : i64, scratch_operands = 3 : i64, tpu.core_type = #tpu.core_type<sc_vector_subcore>, window_params = [{transform_indices = #map}, {transform_indices = #map}, {transform_indices = #map}]} {
    %mul3A = arith.constant 2 : i32
    %mul3A_0 = arith.muli %arg1, %mul3A : i32
    %add3A = arith.addi %mul3A_0, %arg0 : i32
    %jit3A = arith.constant 16 : i32
    %eq3A = arith.constant 0 : i32
    %eq3A_1 = arith.cmpi eq, %jit3A, %eq3A : i32
    %jit3A_2 = arith.constant 1 : i32
    %select_n3A = arith.select %eq3A_1, %jit3A_2, %jit3A : i32
    %rem3A = arith.remsi %add3A, %select_n3A : i32
    %ne3A = arith.constant 0 : i32
    %ne3A_3 = arith.cmpi ne, %rem3A, %ne3A : i32
    %lt3A = arith.constant 0 : i32
    %lt3A_4 = arith.cmpi slt, %rem3A, %lt3A : i32
    %lt3A_5 = arith.constant 0 : i32
    %lt3A_6 = arith.cmpi slt, %select_n3A, %lt3A_5 : i32
    %ne3A_7 = arith.xori %lt3A_4, %lt3A_6 : i1
    %and3A = arith.andi %ne3A_7, %ne3A_3 : i1
    %add3A_8 = arith.addi %rem3A, %select_n3A : i32
    %select_n3A_9 = arith.select %and3A, %add3A_8, %rem3A : i32
    %mul3A_10 = arith.constant 128 : i32
    %mul3A_11 = arith.muli %select_n3A_9, %mul3A_10 : i32
    "tpu.region"() ({
      %run_scoped3A = tpu.sem_alloc : memref<!tpu.dma_semaphore, #tpu.memory_space<semaphore_mem>>
      %dma_start3A_16 = arith.constant 0 : i32
      %dma_start3A_17 = tpu.memref_slice %arg3[%add3A, %dma_start3A_16] : memref<32x128xi32, #tpu.memory_space<hbm>> -> memref<1x128xi32, #tpu.memory_space<hbm>>
      %dma_start3A_18 = tpu.memref_squeeze %dma_start3A_17 : memref<1x128xi32, #tpu.memory_space<hbm>> -> memref<128xi32, #tpu.memory_space<hbm>>
      %dma_start3A_19 = arith.constant 0 : i32
      %dma_start3A_20 = tpu.memref_slice %arg3[%add3A, %dma_start3A_19] : memref<32x128xi32, #tpu.memory_space<hbm>> -> memref<1x128xi32, #tpu.memory_space<hbm>>
      %dma_start3A_21 = tpu.memref_squeeze %dma_start3A_20 : memref<1x128xi32, #tpu.memory_space<hbm>> -> memref<128xi32, #tpu.memory_space<hbm>>
      tpu.enqueue_dma source(%dma_start3A_21 : memref<128xi32, #tpu.memory_space<hbm>>) target(%arg5 : memref<128xi32, #tpu.memory_space<vmem>>) target_semaphore(%run_scoped3A : memref<!tpu.dma_semaphore, #tpu.memory_space<semaphore_mem>>)
      %dma_wait3A_22 = arith.constant 0 : i32
      %dma_wait3A_23 = tpu.memref_slice %arg3[%add3A, %dma_wait3A_22] : memref<32x128xi32, #tpu.memory_space<hbm>> -> memref<1x128xi32, #tpu.memory_space<hbm>>
      %dma_wait3A_24 = tpu.memref_squeeze %dma_wait3A_23 : memref<1x128xi32, #tpu.memory_space<hbm>> -> memref<128xi32, #tpu.memory_space<hbm>>
      %dma_wait3A_25 = arith.constant 0 : i32
      %dma_wait3A_26 = tpu.memref_slice %arg3[%add3A, %dma_wait3A_25] : memref<32x128xi32, #tpu.memory_space<hbm>> -> memref<1x128xi32, #tpu.memory_space<hbm>>
      %dma_wait3A_27 = tpu.memref_squeeze %dma_wait3A_26 : memref<1x128xi32, #tpu.memory_space<hbm>> -> memref<128xi32, #tpu.memory_space<hbm>>
      tpu.wait_dma2 semaphore(%run_scoped3A : memref<!tpu.dma_semaphore, #tpu.memory_space<semaphore_mem>>) src(%dma_wait3A_27 : memref<128xi32, #tpu.memory_space<hbm>>) dst(%arg5 : memref<128xi32, #tpu.memory_space<vmem>>)
      tpu.yield
    }) : () -> ()
    "tpu.region"() ({
      %run_scoped3A = tpu.sem_alloc : memref<!tpu.dma_semaphore, #tpu.memory_space<semaphore_mem>>
      %dma_start3A_16 = arith.constant 0 : i32
      %dma_start3A_17 = tpu.memref_slice %arg2[%mul3A_11, %dma_start3A_16] : memref<2048x768xf32, #tpu.memory_space<hbm>> -> memref<128x768xf32, #tpu.memory_space<hbm>>
      %dma_start3A_18 = arith.constant 0 : i32
      %dma_start3A_19 = tpu.memref_slice %arg2[%mul3A_11, %dma_start3A_18] : memref<2048x768xf32, #tpu.memory_space<hbm>> -> memref<128x768xf32, #tpu.memory_space<hbm>>
      tpu.enqueue_dma source(%dma_start3A_19 : memref<128x768xf32, #tpu.memory_space<hbm>>) target(%arg6 : memref<128x768xf32, #tpu.memory_space<vmem>>) target_semaphore(%run_scoped3A : memref<!tpu.dma_semaphore, #tpu.memory_space<semaphore_mem>>)
      %dma_wait3A_20 = arith.constant 0 : i32
      %dma_wait3A_21 = tpu.memref_slice %arg2[%mul3A_11, %dma_wait3A_20] : memref<2048x768xf32, #tpu.memory_space<hbm>> -> memref<128x768xf32, #tpu.memory_space<hbm>>
      %dma_wait3A_22 = arith.constant 0 : i32
      %dma_wait3A_23 = tpu.memref_slice %arg2[%mul3A_11, %dma_wait3A_22] : memref<2048x768xf32, #tpu.memory_space<hbm>> -> memref<128x768xf32, #tpu.memory_space<hbm>>
      tpu.wait_dma2 semaphore(%run_scoped3A : memref<!tpu.dma_semaphore, #tpu.memory_space<semaphore_mem>>) src(%dma_wait3A_23 : memref<128x768xf32, #tpu.memory_space<hbm>>) dst(%arg6 : memref<128x768xf32, #tpu.memory_space<vmem>>)
      tpu.yield
    }) : () -> ()
    %dma_start3A = arith.constant 0 : i32
    %dma_start3A_12 = arith.constant 0 : i32
    %dma_start3A_13 = tpu.memref_slice %arg4[%dma_start3A, %dma_start3A_12] : memref<12160x768xf32, #tpu.memory_space<hbm>> -> memref<12160x768xf32, #tpu.memory_space<hbm>>
    tpu.enqueue_indirect_dma source(%arg6 : memref<128x768xf32, #tpu.memory_space<vmem>>) target(%dma_start3A_13 : memref<12160x768xf32, #tpu.memory_space<hbm>>) offsets(%arg5 : memref<128xi32, #tpu.memory_space<vmem>>) semaphore(%arg7 : memref<!tpu.dma_semaphore, #tpu.memory_space<semaphore_mem>>)
    %dma_wait3A = arith.constant 0 : i32
    %dma_wait3A_14 = arith.constant 0 : i32
    %dma_wait3A_15 = tpu.memref_slice %arg4[%dma_wait3A, %dma_wait3A_14] : memref<12160x768xf32, #tpu.memory_space<hbm>> -> memref<12160x768xf32, #tpu.memory_space<hbm>>
    tpu.wait_indirect_dma semaphore(%arg7 : memref<!tpu.dma_semaphore, #tpu.memory_space<semaphore_mem>>) src(%arg6 : memref<128x768xf32, #tpu.memory_space<vmem>>) dst(%dma_wait3A_15 : memref<12160x768xf32, #tpu.memory_space<hbm>>)
    return
  }
}

#map = affine_map<(d0, d1) -> (0, 0)>
module attributes {stable_mosaic.version = 14 : i64} {
  func.func @_sc_combine_body(%arg0: i32, %arg1: i32, %arg2: memref<12160x256xf32, #tpu.memory_space<hbm>>, %arg3: memref<32x128xi32, #tpu.memory_space<hbm>>, %arg4: memref<2048x16xf32, #tpu.memory_space<hbm>>, %arg5: memref<2048x16xf32, #tpu.memory_space<hbm>>, %arg6: memref<2048x256xf32, #tpu.memory_space<hbm>>, %arg7: memref<2048x256xf32, #tpu.memory_space<hbm>>, %arg8: memref<64xi32, #tpu.memory_space<vmem>>, %arg9: memref<64xi32, #tpu.memory_space<vmem>>, %arg10: memref<64x16xf32, #tpu.memory_space<vmem>>, %arg11: memref<64x16xf32, #tpu.memory_space<vmem>>, %arg12: memref<64x256xf32, #tpu.memory_space<vmem>>, %arg13: memref<64x256xf32, #tpu.memory_space<vmem>>, %arg14: memref<64x256xf32, #tpu.memory_space<vmem>>, %arg15: memref<64x256xf32, #tpu.memory_space<vmem>>, %arg16: memref<!tpu.dma_semaphore, #tpu.memory_space<semaphore_mem>>) attributes {dimension_semantics = [#tpu.dimension_semantics<core_parallel>, #tpu.dimension_semantics<subcore_parallel>], iteration_bounds = array<i64: 2, 16>, scalar_prefetch = 0 : i64, scratch_operands = 9 : i64, tpu.core_type = #tpu.core_type<sc_vector_subcore>, window_params = [{transform_indices = #map}, {transform_indices = #map}, {transform_indices = #map}, {transform_indices = #map}, {transform_indices = #map}, {transform_indices = #map}]} {
    %mul3A = arith.constant 2 : i32
    %mul3A_0 = arith.muli %arg1, %mul3A : i32
    %add3A = arith.addi %mul3A_0, %arg0 : i32
    %mul3A_1 = arith.constant 64 : i32
    %mul3A_2 = arith.muli %add3A, %mul3A_1 : i32
    %jit3A = arith.constant 2 : i32
    %div3A = arith.divsi %add3A, %jit3A : i32
    %sign3A = arith.constant 0 : i32
    %sign3A_3 = arith.cmpi sgt, %add3A, %sign3A : i32
    %sign3A_4 = arith.extui %sign3A_3 : i1 to i32
    %sign3A_5 = arith.constant 0 : i32
    %sign3A_6 = arith.cmpi slt, %add3A, %sign3A_5 : i32
    %sign3A_7 = arith.extui %sign3A_6 : i1 to i32
    %sign3A_8 = arith.subi %sign3A_4, %sign3A_7 : i32
    %sign3A_9 = arith.constant 0 : i32
    %sign3A_10 = arith.cmpi sgt, %jit3A, %sign3A_9 : i32
    %sign3A_11 = arith.extui %sign3A_10 : i1 to i32
    %sign3A_12 = arith.constant 0 : i32
    %sign3A_13 = arith.cmpi slt, %jit3A, %sign3A_12 : i32
    %sign3A_14 = arith.extui %sign3A_13 : i1 to i32
    %sign3A_15 = arith.subi %sign3A_11, %sign3A_14 : i32
    %ne3A = arith.cmpi ne, %sign3A_8, %sign3A_15 : i32
    %rem3A = arith.remsi %add3A, %jit3A : i32
    %ne3A_16 = arith.constant 0 : i32
    %ne3A_17 = arith.cmpi ne, %rem3A, %ne3A_16 : i32
    %and3A = arith.andi %ne3A, %ne3A_17 : i1
    %sub3A = arith.constant 1 : i32
    %sub3A_18 = arith.subi %div3A, %sub3A : i32
    %select_n3A = arith.select %and3A, %sub3A_18, %div3A : i32
    %jit3A_19 = arith.constant 2 : i32
    %eq3A = arith.constant 0 : i32
    %eq3A_20 = arith.cmpi eq, %jit3A_19, %eq3A : i32
    %jit3A_21 = arith.constant 1 : i32
    %select_n3A_22 = arith.select %eq3A_20, %jit3A_21, %jit3A_19 : i32
    %rem3A_23 = arith.remsi %add3A, %select_n3A_22 : i32
    %ne3A_24 = arith.constant 0 : i32
    %ne3A_25 = arith.cmpi ne, %rem3A_23, %ne3A_24 : i32
    %lt3A = arith.constant 0 : i32
    %lt3A_26 = arith.cmpi slt, %rem3A_23, %lt3A : i32
    %lt3A_27 = arith.constant 0 : i32
    %lt3A_28 = arith.cmpi slt, %select_n3A_22, %lt3A_27 : i32
    %ne3A_29 = arith.xori %lt3A_26, %lt3A_28 : i1
    %and3A_30 = arith.andi %ne3A_29, %ne3A_25 : i1
    %add3A_31 = arith.addi %rem3A_23, %select_n3A_22 : i32
    %select_n3A_32 = arith.select %and3A_30, %add3A_31, %rem3A_23 : i32
    %mul3A_33 = arith.constant 64 : i32
    %mul3A_34 = arith.muli %select_n3A_32, %mul3A_33 : i32
    "tpu.region"() ({
      %run_scoped3A = tpu.sem_alloc : memref<!tpu.dma_semaphore, #tpu.memory_space<semaphore_mem>>
      %dma_start3A_52 = tpu.memref_slice %arg3[%select_n3A, %mul3A_34] : memref<32x128xi32, #tpu.memory_space<hbm>> -> memref<1x64xi32, #tpu.memory_space<hbm>>
      %dma_start3A_53 = tpu.memref_squeeze %dma_start3A_52 : memref<1x64xi32, #tpu.memory_space<hbm>> -> memref<64xi32, #tpu.memory_space<hbm>>
      %dma_start3A_54 = tpu.memref_slice %arg3[%select_n3A, %mul3A_34] : memref<32x128xi32, #tpu.memory_space<hbm>> -> memref<1x64xi32, #tpu.memory_space<hbm>>
      %dma_start3A_55 = tpu.memref_squeeze %dma_start3A_54 : memref<1x64xi32, #tpu.memory_space<hbm>> -> memref<64xi32, #tpu.memory_space<hbm>>
      tpu.enqueue_dma source(%dma_start3A_55 : memref<64xi32, #tpu.memory_space<hbm>>) target(%arg8 : memref<64xi32, #tpu.memory_space<vmem>>) target_semaphore(%run_scoped3A : memref<!tpu.dma_semaphore, #tpu.memory_space<semaphore_mem>>)
      %dma_wait3A_56 = tpu.memref_slice %arg3[%select_n3A, %mul3A_34] : memref<32x128xi32, #tpu.memory_space<hbm>> -> memref<1x64xi32, #tpu.memory_space<hbm>>
      %dma_wait3A_57 = tpu.memref_squeeze %dma_wait3A_56 : memref<1x64xi32, #tpu.memory_space<hbm>> -> memref<64xi32, #tpu.memory_space<hbm>>
      %dma_wait3A_58 = tpu.memref_slice %arg3[%select_n3A, %mul3A_34] : memref<32x128xi32, #tpu.memory_space<hbm>> -> memref<1x64xi32, #tpu.memory_space<hbm>>
      %dma_wait3A_59 = tpu.memref_squeeze %dma_wait3A_58 : memref<1x64xi32, #tpu.memory_space<hbm>> -> memref<64xi32, #tpu.memory_space<hbm>>
      tpu.wait_dma2 semaphore(%run_scoped3A : memref<!tpu.dma_semaphore, #tpu.memory_space<semaphore_mem>>) src(%dma_wait3A_59 : memref<64xi32, #tpu.memory_space<hbm>>) dst(%arg8 : memref<64xi32, #tpu.memory_space<vmem>>)
      tpu.yield
    }) : () -> ()
    %add3A_35 = arith.constant 16 : i32
    %add3A_36 = arith.addi %add3A_35, %select_n3A : i32
    "tpu.region"() ({
      %run_scoped3A = tpu.sem_alloc : memref<!tpu.dma_semaphore, #tpu.memory_space<semaphore_mem>>
      %dma_start3A_52 = tpu.memref_slice %arg3[%add3A_36, %mul3A_34] : memref<32x128xi32, #tpu.memory_space<hbm>> -> memref<1x64xi32, #tpu.memory_space<hbm>>
      %dma_start3A_53 = tpu.memref_squeeze %dma_start3A_52 : memref<1x64xi32, #tpu.memory_space<hbm>> -> memref<64xi32, #tpu.memory_space<hbm>>
      %dma_start3A_54 = tpu.memref_slice %arg3[%add3A_36, %mul3A_34] : memref<32x128xi32, #tpu.memory_space<hbm>> -> memref<1x64xi32, #tpu.memory_space<hbm>>
      %dma_start3A_55 = tpu.memref_squeeze %dma_start3A_54 : memref<1x64xi32, #tpu.memory_space<hbm>> -> memref<64xi32, #tpu.memory_space<hbm>>
      tpu.enqueue_dma source(%dma_start3A_55 : memref<64xi32, #tpu.memory_space<hbm>>) target(%arg9 : memref<64xi32, #tpu.memory_space<vmem>>) target_semaphore(%run_scoped3A : memref<!tpu.dma_semaphore, #tpu.memory_space<semaphore_mem>>)
      %dma_wait3A_56 = tpu.memref_slice %arg3[%add3A_36, %mul3A_34] : memref<32x128xi32, #tpu.memory_space<hbm>> -> memref<1x64xi32, #tpu.memory_space<hbm>>
      %dma_wait3A_57 = tpu.memref_squeeze %dma_wait3A_56 : memref<1x64xi32, #tpu.memory_space<hbm>> -> memref<64xi32, #tpu.memory_space<hbm>>
      %dma_wait3A_58 = tpu.memref_slice %arg3[%add3A_36, %mul3A_34] : memref<32x128xi32, #tpu.memory_space<hbm>> -> memref<1x64xi32, #tpu.memory_space<hbm>>
      %dma_wait3A_59 = tpu.memref_squeeze %dma_wait3A_58 : memref<1x64xi32, #tpu.memory_space<hbm>> -> memref<64xi32, #tpu.memory_space<hbm>>
      tpu.wait_dma2 semaphore(%run_scoped3A : memref<!tpu.dma_semaphore, #tpu.memory_space<semaphore_mem>>) src(%dma_wait3A_59 : memref<64xi32, #tpu.memory_space<hbm>>) dst(%arg9 : memref<64xi32, #tpu.memory_space<vmem>>)
      tpu.yield
    }) : () -> ()
    "tpu.region"() ({
      %run_scoped3A = tpu.sem_alloc : memref<!tpu.dma_semaphore, #tpu.memory_space<semaphore_mem>>
      %dma_start3A_52 = arith.constant 0 : i32
      %dma_start3A_53 = tpu.memref_slice %arg4[%mul3A_2, %dma_start3A_52] : memref<2048x16xf32, #tpu.memory_space<hbm>> -> memref<64x16xf32, #tpu.memory_space<hbm>>
      %dma_start3A_54 = arith.constant 0 : i32
      %dma_start3A_55 = tpu.memref_slice %arg4[%mul3A_2, %dma_start3A_54] : memref<2048x16xf32, #tpu.memory_space<hbm>> -> memref<64x16xf32, #tpu.memory_space<hbm>>
      tpu.enqueue_dma source(%dma_start3A_55 : memref<64x16xf32, #tpu.memory_space<hbm>>) target(%arg10 : memref<64x16xf32, #tpu.memory_space<vmem>>) target_semaphore(%run_scoped3A : memref<!tpu.dma_semaphore, #tpu.memory_space<semaphore_mem>>)
      %dma_wait3A_56 = arith.constant 0 : i32
      %dma_wait3A_57 = tpu.memref_slice %arg4[%mul3A_2, %dma_wait3A_56] : memref<2048x16xf32, #tpu.memory_space<hbm>> -> memref<64x16xf32, #tpu.memory_space<hbm>>
      %dma_wait3A_58 = arith.constant 0 : i32
      %dma_wait3A_59 = tpu.memref_slice %arg4[%mul3A_2, %dma_wait3A_58] : memref<2048x16xf32, #tpu.memory_space<hbm>> -> memref<64x16xf32, #tpu.memory_space<hbm>>
      tpu.wait_dma2 semaphore(%run_scoped3A : memref<!tpu.dma_semaphore, #tpu.memory_space<semaphore_mem>>) src(%dma_wait3A_59 : memref<64x16xf32, #tpu.memory_space<hbm>>) dst(%arg10 : memref<64x16xf32, #tpu.memory_space<vmem>>)
      tpu.yield
    }) : () -> ()
    "tpu.region"() ({
      %run_scoped3A = tpu.sem_alloc : memref<!tpu.dma_semaphore, #tpu.memory_space<semaphore_mem>>
      %dma_start3A_52 = arith.constant 0 : i32
      %dma_start3A_53 = tpu.memref_slice %arg5[%mul3A_2, %dma_start3A_52] : memref<2048x16xf32, #tpu.memory_space<hbm>> -> memref<64x16xf32, #tpu.memory_space<hbm>>
      %dma_start3A_54 = arith.constant 0 : i32
      %dma_start3A_55 = tpu.memref_slice %arg5[%mul3A_2, %dma_start3A_54] : memref<2048x16xf32, #tpu.memory_space<hbm>> -> memref<64x16xf32, #tpu.memory_space<hbm>>
      tpu.enqueue_dma source(%dma_start3A_55 : memref<64x16xf32, #tpu.memory_space<hbm>>) target(%arg11 : memref<64x16xf32, #tpu.memory_space<vmem>>) target_semaphore(%run_scoped3A : memref<!tpu.dma_semaphore, #tpu.memory_space<semaphore_mem>>)
      %dma_wait3A_56 = arith.constant 0 : i32
      %dma_wait3A_57 = tpu.memref_slice %arg5[%mul3A_2, %dma_wait3A_56] : memref<2048x16xf32, #tpu.memory_space<hbm>> -> memref<64x16xf32, #tpu.memory_space<hbm>>
      %dma_wait3A_58 = arith.constant 0 : i32
      %dma_wait3A_59 = tpu.memref_slice %arg5[%mul3A_2, %dma_wait3A_58] : memref<2048x16xf32, #tpu.memory_space<hbm>> -> memref<64x16xf32, #tpu.memory_space<hbm>>
      tpu.wait_dma2 semaphore(%run_scoped3A : memref<!tpu.dma_semaphore, #tpu.memory_space<semaphore_mem>>) src(%dma_wait3A_59 : memref<64x16xf32, #tpu.memory_space<hbm>>) dst(%arg11 : memref<64x16xf32, #tpu.memory_space<vmem>>)
      tpu.yield
    }) : () -> ()
    "tpu.region"() ({
      %run_scoped3A = tpu.sem_alloc : memref<!tpu.dma_semaphore, #tpu.memory_space<semaphore_mem>>
      %dma_start3A_52 = arith.constant 0 : i32
      %dma_start3A_53 = tpu.memref_slice %arg6[%mul3A_2, %dma_start3A_52] : memref<2048x256xf32, #tpu.memory_space<hbm>> -> memref<64x256xf32, #tpu.memory_space<hbm>>
      %dma_start3A_54 = arith.constant 0 : i32
      %dma_start3A_55 = tpu.memref_slice %arg6[%mul3A_2, %dma_start3A_54] : memref<2048x256xf32, #tpu.memory_space<hbm>> -> memref<64x256xf32, #tpu.memory_space<hbm>>
      tpu.enqueue_dma source(%dma_start3A_55 : memref<64x256xf32, #tpu.memory_space<hbm>>) target(%arg14 : memref<64x256xf32, #tpu.memory_space<vmem>>) target_semaphore(%run_scoped3A : memref<!tpu.dma_semaphore, #tpu.memory_space<semaphore_mem>>)
      %dma_wait3A_56 = arith.constant 0 : i32
      %dma_wait3A_57 = tpu.memref_slice %arg6[%mul3A_2, %dma_wait3A_56] : memref<2048x256xf32, #tpu.memory_space<hbm>> -> memref<64x256xf32, #tpu.memory_space<hbm>>
      %dma_wait3A_58 = arith.constant 0 : i32
      %dma_wait3A_59 = tpu.memref_slice %arg6[%mul3A_2, %dma_wait3A_58] : memref<2048x256xf32, #tpu.memory_space<hbm>> -> memref<64x256xf32, #tpu.memory_space<hbm>>
      tpu.wait_dma2 semaphore(%run_scoped3A : memref<!tpu.dma_semaphore, #tpu.memory_space<semaphore_mem>>) src(%dma_wait3A_59 : memref<64x256xf32, #tpu.memory_space<hbm>>) dst(%arg14 : memref<64x256xf32, #tpu.memory_space<vmem>>)
      tpu.yield
    }) : () -> ()
    %dma_start3A = arith.constant 0 : i32
    %dma_start3A_37 = arith.constant 0 : i32
    %dma_start3A_38 = tpu.memref_slice %arg2[%dma_start3A, %dma_start3A_37] : memref<12160x256xf32, #tpu.memory_space<hbm>> -> memref<12160x256xf32, #tpu.memory_space<hbm>>
    tpu.enqueue_indirect_dma source(%dma_start3A_38 : memref<12160x256xf32, #tpu.memory_space<hbm>>) target(%arg12 : memref<64x256xf32, #tpu.memory_space<vmem>>) offsets(%arg8 : memref<64xi32, #tpu.memory_space<vmem>>) semaphore(%arg16 : memref<!tpu.dma_semaphore, #tpu.memory_space<semaphore_mem>>)
    %dma_start3A_39 = arith.constant 0 : i32
    %dma_start3A_40 = arith.constant 0 : i32
    %dma_start3A_41 = tpu.memref_slice %arg2[%dma_start3A_39, %dma_start3A_40] : memref<12160x256xf32, #tpu.memory_space<hbm>> -> memref<12160x256xf32, #tpu.memory_space<hbm>>
    tpu.enqueue_indirect_dma source(%dma_start3A_41 : memref<12160x256xf32, #tpu.memory_space<hbm>>) target(%arg13 : memref<64x256xf32, #tpu.memory_space<vmem>>) offsets(%arg9 : memref<64xi32, #tpu.memory_space<vmem>>) semaphore(%arg16 : memref<!tpu.dma_semaphore, #tpu.memory_space<semaphore_mem>>)
    %dma_wait3A = arith.constant 0 : i32
    %dma_wait3A_42 = arith.constant 0 : i32
    %dma_wait3A_43 = tpu.memref_slice %arg2[%dma_wait3A, %dma_wait3A_42] : memref<12160x256xf32, #tpu.memory_space<hbm>> -> memref<12160x256xf32, #tpu.memory_space<hbm>>
    tpu.wait_indirect_dma semaphore(%arg16 : memref<!tpu.dma_semaphore, #tpu.memory_space<semaphore_mem>>) src(%dma_wait3A_43 : memref<12160x256xf32, #tpu.memory_space<hbm>>) dst(%arg12 : memref<64x256xf32, #tpu.memory_space<vmem>>)
    %dma_wait3A_44 = arith.constant 0 : i32
    %dma_wait3A_45 = arith.constant 0 : i32
    %dma_wait3A_46 = tpu.memref_slice %arg2[%dma_wait3A_44, %dma_wait3A_45] : memref<12160x256xf32, #tpu.memory_space<hbm>> -> memref<12160x256xf32, #tpu.memory_space<hbm>>
    tpu.wait_indirect_dma semaphore(%arg16 : memref<!tpu.dma_semaphore, #tpu.memory_space<semaphore_mem>>) src(%dma_wait3A_46 : memref<12160x256xf32, #tpu.memory_space<hbm>>) dst(%arg13 : memref<64x256xf32, #tpu.memory_space<vmem>>)
    %scan3A = arith.constant 0 : i32
    %scan3A_47 = arith.constant 0 : i32
    %scan3A_48 = arith.constant 64 : i32
    %scan3A_49 = arith.addi %scan3A_47, %scan3A_48 : i32
    %scan3A_50 = arith.constant 1 : i32
    scf.for %scan3A_52 = %scan3A_47 to %scan3A_49 step %scan3A_50  : i32 {
      %get3A = arith.index_cast %scan3A_52 : i32 to index
      %get3A_53 = arith.constant 0 : index
      %get3A_54 = tpu.vector_load %arg10[%get3A, %get3A_53] {strides = array<i32>} : memref<64x16xf32, #tpu.memory_space<vmem>>, vector<1x16xf32>,
      %get3A_55 = vector.shape_cast %get3A_54 : vector<1x16xf32> to vector<16xf32>
      %get3A_56 = arith.index_cast %scan3A_52 : i32 to index
      %get3A_57 = arith.constant 0 : index
      %get3A_58 = tpu.vector_load %arg11[%get3A_56, %get3A_57] {strides = array<i32>} : memref<64x16xf32, #tpu.memory_space<vmem>>, vector<1x16xf32>,
      %get3A_59 = vector.shape_cast %get3A_58 : vector<1x16xf32> to vector<16xf32>
      %get3A_60 = arith.index_cast %scan3A_52 : i32 to index
      %get3A_61 = arith.constant 0 : index
      %get3A_62 = tpu.vector_load %arg12[%get3A_60, %get3A_61] {strides = array<i32>} : memref<64x256xf32, #tpu.memory_space<vmem>>, vector<1x16xf32>,
      %get3A_63 = vector.shape_cast %get3A_62 : vector<1x16xf32> to vector<16xf32>
      %mul3A_64 = arith.mulf %get3A_63, %get3A_55 : vector<16xf32>
      %get3A_65 = arith.index_cast %scan3A_52 : i32 to index
      %get3A_66 = arith.constant 0 : index
      %get3A_67 = tpu.vector_load %arg13[%get3A_65, %get3A_66] {strides = array<i32>} : memref<64x256xf32, #tpu.memory_space<vmem>>, vector<1x16xf32>,
      %get3A_68 = vector.shape_cast %get3A_67 : vector<1x16xf32> to vector<16xf32>
      %mul3A_69 = arith.mulf %get3A_68, %get3A_59 : vector<16xf32>
      %add3A_70 = arith.addf %mul3A_64, %mul3A_69 : vector<16xf32>
      %get3A_71 = arith.index_cast %scan3A_52 : i32 to index
      %get3A_72 = arith.constant 0 : index
      %get3A_73 = tpu.vector_load %arg14[%get3A_71, %get3A_72] {strides = array<i32>} : memref<64x256xf32, #tpu.memory_space<vmem>>, vector<1x16xf32>,
      %get3A_74 = vector.shape_cast %get3A_73 : vector<1x16xf32> to vector<16xf32>
      %add3A_75 = arith.addf %add3A_70, %get3A_74 : vector<16xf32>
      %swap3A = arith.index_cast %scan3A_52 : i32 to index
      %swap3A_76 = arith.constant 0 : index
      %swap3A_77 = tpu.vector_load %arg15[%swap3A, %swap3A_76] {strides = array<i32>} : memref<64x256xf32, #tpu.memory_space<vmem>>, vector<1x16xf32>,
      %swap3A_78 = vector.shape_cast %swap3A_77 : vector<1x16xf32> to vector<16xf32>
      %swap3A_79 = vector.shape_cast %add3A_75 : vector<16xf32> to vector<1x16xf32>
      tpu.vector_store %arg15[%swap3A, %swap3A_76], %swap3A_79 {strides = array<i32>} : memref<64x256xf32, #tpu.memory_space<vmem>>, vector<1x16xf32>,
      %get3A_80 = arith.index_cast %scan3A_52 : i32 to index
      %get3A_81 = arith.constant 16 : index
      %get3A_82 = tpu.vector_load %arg12[%get3A_80, %get3A_81] {strides = array<i32>} : memref<64x256xf32, #tpu.memory_space<vmem>>, vector<1x16xf32>,
      %get3A_83 = vector.shape_cast %get3A_82 : vector<1x16xf32> to vector<16xf32>
      %mul3A_84 = arith.mulf %get3A_83, %get3A_55 : vector<16xf32>
      %get3A_85 = arith.index_cast %scan3A_52 : i32 to index
      %get3A_86 = arith.constant 16 : index
      %get3A_87 = tpu.vector_load %arg13[%get3A_85, %get3A_86] {strides = array<i32>} : memref<64x256xf32, #tpu.memory_space<vmem>>, vector<1x16xf32>,
      %get3A_88 = vector.shape_cast %get3A_87 : vector<1x16xf32> to vector<16xf32>
      %mul3A_89 = arith.mulf %get3A_88, %get3A_59 : vector<16xf32>
      %add3A_90 = arith.addf %mul3A_84, %mul3A_89 : vector<16xf32>
      %get3A_91 = arith.index_cast %scan3A_52 : i32 to index
      %get3A_92 = arith.constant 16 : index
      %get3A_93 = tpu.vector_load %arg14[%get3A_91, %get3A_92] {strides = array<i32>} : memref<64x256xf32, #tpu.memory_space<vmem>>, vector<1x16xf32>,
      %get3A_94 = vector.shape_cast %get3A_93 : vector<1x16xf32> to vector<16xf32>
      %add3A_95 = arith.addf %add3A_90, %get3A_94 : vector<16xf32>
      %swap3A_96 = arith.index_cast %scan3A_52 : i32 to index
      %swap3A_97 = arith.constant 16 : index
      %swap3A_98 = tpu.vector_load %arg15[%swap3A_96, %swap3A_97] {strides = array<i32>} : memref<64x256xf32, #tpu.memory_space<vmem>>, vector<1x16xf32>,
      %swap3A_99 = vector.shape_cast %swap3A_98 : vector<1x16xf32> to vector<16xf32>
      %swap3A_100 = vector.shape_cast %add3A_95 : vector<16xf32> to vector<1x16xf32>
      tpu.vector_store %arg15[%swap3A_96, %swap3A_97], %swap3A_100 {strides = array<i32>} : memref<64x256xf32, #tpu.memory_space<vmem>>, vector<1x16xf32>,
      %get3A_101 = arith.index_cast %scan3A_52 : i32 to index
      %get3A_102 = arith.constant 32 : index
      %get3A_103 = tpu.vector_load %arg12[%get3A_101, %get3A_102] {strides = array<i32>} : memref<64x256xf32, #tpu.memory_space<vmem>>, vector<1x16xf32>,
      %get3A_104 = vector.shape_cast %get3A_103 : vector<1x16xf32> to vector<16xf32>
      %mul3A_105 = arith.mulf %get3A_104, %get3A_55 : vector<16xf32>
      %get3A_106 = arith.index_cast %scan3A_52 : i32 to index
      %get3A_107 = arith.constant 32 : index
      %get3A_108 = tpu.vector_load %arg13[%get3A_106, %get3A_107] {strides = array<i32>} : memref<64x256xf32, #tpu.memory_space<vmem>>, vector<1x16xf32>,
      %get3A_109 = vector.shape_cast %get3A_108 : vector<1x16xf32> to vector<16xf32>
      %mul3A_110 = arith.mulf %get3A_109, %get3A_59 : vector<16xf32>
      %add3A_111 = arith.addf %mul3A_105, %mul3A_110 : vector<16xf32>
      %get3A_112 = arith.index_cast %scan3A_52 : i32 to index
      %get3A_113 = arith.constant 32 : index
      %get3A_114 = tpu.vector_load %arg14[%get3A_112, %get3A_113] {strides = array<i32>} : memref<64x256xf32, #tpu.memory_space<vmem>>, vector<1x16xf32>,
      %get3A_115 = vector.shape_cast %get3A_114 : vector<1x16xf32> to vector<16xf32>
      %add3A_116 = arith.addf %add3A_111, %get3A_115 : vector<16xf32>
      %swap3A_117 = arith.index_cast %scan3A_52 : i32 to index
      %swap3A_118 = arith.constant 32 : index
      %swap3A_119 = tpu.vector_load %arg15[%swap3A_117, %swap3A_118] {strides = array<i32>} : memref<64x256xf32, #tpu.memory_space<vmem>>, vector<1x16xf32>,
      %swap3A_120 = vector.shape_cast %swap3A_119 : vector<1x16xf32> to vector<16xf32>
      %swap3A_121 = vector.shape_cast %add3A_116 : vector<16xf32> to vector<1x16xf32>
      tpu.vector_store %arg15[%swap3A_117, %swap3A_118], %swap3A_121 {strides = array<i32>} : memref<64x256xf32, #tpu.memory_space<vmem>>, vector<1x16xf32>,
      %get3A_122 = arith.index_cast %scan3A_52 : i32 to index
      %get3A_123 = arith.constant 48 : index
      %get3A_124 = tpu.vector_load %arg12[%get3A_122, %get3A_123] {strides = array<i32>} : memref<64x256xf32, #tpu.memory_space<vmem>>, vector<1x16xf32>,
      %get3A_125 = vector.shape_cast %get3A_124 : vector<1x16xf32> to vector<16xf32>
      %mul3A_126 = arith.mulf %get3A_125, %get3A_55 : vector<16xf32>
      %get3A_127 = arith.index_cast %scan3A_52 : i32 to index
      %get3A_128 = arith.constant 48 : index
      %get3A_129 = tpu.vector_load %arg13[%get3A_127, %get3A_128] {strides = array<i32>} : memref<64x256xf32, #tpu.memory_space<vmem>>, vector<1x16xf32>,
      %get3A_130 = vector.shape_cast %get3A_129 : vector<1x16xf32> to vector<16xf32>
      %mul3A_131 = arith.mulf %get3A_130, %get3A_59 : vector<16xf32>
      %add3A_132 = arith.addf %mul3A_126, %mul3A_131 : vector<16xf32>
      %get3A_133 = arith.index_cast %scan3A_52 : i32 to index
      %get3A_134 = arith.constant 48 : index
      %get3A_135 = tpu.vector_load %arg14[%get3A_133, %get3A_134] {strides = array<i32>} : memref<64x256xf32, #tpu.memory_space<vmem>>, vector<1x16xf32>,
      %get3A_136 = vector.shape_cast %get3A_135 : vector<1x16xf32> to vector<16xf32>
      %add3A_137 = arith.addf %add3A_132, %get3A_136 : vector<16xf32>
      %swap3A_138 = arith.index_cast %scan3A_52 : i32 to index
      %swap3A_139 = arith.constant 48 : index
      %swap3A_140 = tpu.vector_load %arg15[%swap3A_138, %swap3A_139] {strides = array<i32>} : memref<64x256xf32, #tpu.memory_space<vmem>>, vector<1x16xf32>,
      %swap3A_141 = vector.shape_cast %swap3A_140 : vector<1x16xf32> to vector<16xf32>
      %swap3A_142 = vector.shape_cast %add3A_137 : vector<16xf32> to vector<1x16xf32>
      tpu.vector_store %arg15[%swap3A_138, %swap3A_139], %swap3A_142 {strides = array<i32>} : memref<64x256xf32, #tpu.memory_space<vmem>>, vector<1x16xf32>,
      %get3A_143 = arith.index_cast %scan3A_52 : i32 to index
      %get3A_144 = arith.constant 64 : index
      %get3A_145 = tpu.vector_load %arg12[%get3A_143, %get3A_144] {strides = array<i32>} : memref<64x256xf32, #tpu.memory_space<vmem>>, vector<1x16xf32>,
      %get3A_146 = vector.shape_cast %get3A_145 : vector<1x16xf32> to vector<16xf32>
      %mul3A_147 = arith.mulf %get3A_146, %get3A_55 : vector<16xf32>
      %get3A_148 = arith.index_cast %scan3A_52 : i32 to index
      %get3A_149 = arith.constant 64 : index
      %get3A_150 = tpu.vector_load %arg13[%get3A_148, %get3A_149] {strides = array<i32>} : memref<64x256xf32, #tpu.memory_space<vmem>>, vector<1x16xf32>,
      %get3A_151 = vector.shape_cast %get3A_150 : vector<1x16xf32> to vector<16xf32>
      %mul3A_152 = arith.mulf %get3A_151, %get3A_59 : vector<16xf32>
      %add3A_153 = arith.addf %mul3A_147, %mul3A_152 : vector<16xf32>
      %get3A_154 = arith.index_cast %scan3A_52 : i32 to index
      %get3A_155 = arith.constant 64 : index
      %get3A_156 = tpu.vector_load %arg14[%get3A_154, %get3A_155] {strides = array<i32>} : memref<64x256xf32, #tpu.memory_space<vmem>>, vector<1x16xf32>,
      %get3A_157 = vector.shape_cast %get3A_156 : vector<1x16xf32> to vector<16xf32>
      %add3A_158 = arith.addf %add3A_153, %get3A_157 : vector<16xf32>
      %swap3A_159 = arith.index_cast %scan3A_52 : i32 to index
      %swap3A_160 = arith.constant 64 : index
      %swap3A_161 = tpu.vector_load %arg15[%swap3A_159, %swap3A_160] {strides = array<i32>} : memref<64x256xf32, #tpu.memory_space<vmem>>, vector<1x16xf32>,
      %swap3A_162 = vector.shape_cast %swap3A_161 : vector<1x16xf32> to vector<16xf32>
      %swap3A_163 = vector.shape_cast %add3A_158 : vector<16xf32> to vector<1x16xf32>
      tpu.vector_store %arg15[%swap3A_159, %swap3A_160], %swap3A_163 {strides = array<i32>} : memref<64x256xf32, #tpu.memory_space<vmem>>, vector<1x16xf32>,
      %get3A_164 = arith.index_cast %scan3A_52 : i32 to index
      %get3A_165 = arith.constant 80 : index
      %get3A_166 = tpu.vector_load %arg12[%get3A_164, %get3A_165] {strides = array<i32>} : memref<64x256xf32, #tpu.memory_space<vmem>>, vector<1x16xf32>,
      %get3A_167 = vector.shape_cast %get3A_166 : vector<1x16xf32> to vector<16xf32>
      %mul3A_168 = arith.mulf %get3A_167, %get3A_55 : vector<16xf32>
      %get3A_169 = arith.index_cast %scan3A_52 : i32 to index
      %get3A_170 = arith.constant 80 : index
      %get3A_171 = tpu.vector_load %arg13[%get3A_169, %get3A_170] {strides = array<i32>} : memref<64x256xf32, #tpu.memory_space<vmem>>, vector<1x16xf32>,
      %get3A_172 = vector.shape_cast %get3A_171 : vector<1x16xf32> to vector<16xf32>
      %mul3A_173 = arith.mulf %get3A_172, %get3A_59 : vector<16xf32>
      %add3A_174 = arith.addf %mul3A_168, %mul3A_173 : vector<16xf32>
      %get3A_175 = arith.index_cast %scan3A_52 : i32 to index
      %get3A_176 = arith.constant 80 : index
      %get3A_177 = tpu.vector_load %arg14[%get3A_175, %get3A_176] {strides = array<i32>} : memref<64x256xf32, #tpu.memory_space<vmem>>, vector<1x16xf32>,
      %get3A_178 = vector.shape_cast %get3A_177 : vector<1x16xf32> to vector<16xf32>
      %add3A_179 = arith.addf %add3A_174, %get3A_178 : vector<16xf32>
      %swap3A_180 = arith.index_cast %scan3A_52 : i32 to index
      %swap3A_181 = arith.constant 80 : index
      %swap3A_182 = tpu.vector_load %arg15[%swap3A_180, %swap3A_181] {strides = array<i32>} : memref<64x256xf32, #tpu.memory_space<vmem>>, vector<1x16xf32>,
      %swap3A_183 = vector.shape_cast %swap3A_182 : vector<1x16xf32> to vector<16xf32>
      %swap3A_184 = vector.shape_cast %add3A_179 : vector<16xf32> to vector<1x16xf32>
      tpu.vector_store %arg15[%swap3A_180, %swap3A_181], %swap3A_184 {strides = array<i32>} : memref<64x256xf32, #tpu.memory_space<vmem>>, vector<1x16xf32>,
      %get3A_185 = arith.index_cast %scan3A_52 : i32 to index
      %get3A_186 = arith.constant 96 : index
      %get3A_187 = tpu.vector_load %arg12[%get3A_185, %get3A_186] {strides = array<i32>} : memref<64x256xf32, #tpu.memory_space<vmem>>, vector<1x16xf32>,
      %get3A_188 = vector.shape_cast %get3A_187 : vector<1x16xf32> to vector<16xf32>
      %mul3A_189 = arith.mulf %get3A_188, %get3A_55 : vector<16xf32>
      %get3A_190 = arith.index_cast %scan3A_52 : i32 to index
      %get3A_191 = arith.constant 96 : index
      %get3A_192 = tpu.vector_load %arg13[%get3A_190, %get3A_191] {strides = array<i32>} : memref<64x256xf32, #tpu.memory_space<vmem>>, vector<1x16xf32>,
      %get3A_193 = vector.shape_cast %get3A_192 : vector<1x16xf32> to vector<16xf32>
      %mul3A_194 = arith.mulf %get3A_193, %get3A_59 : vector<16xf32>
      %add3A_195 = arith.addf %mul3A_189, %mul3A_194 : vector<16xf32>
      %get3A_196 = arith.index_cast %scan3A_52 : i32 to index
      %get3A_197 = arith.constant 96 : index
      %get3A_198 = tpu.vector_load %arg14[%get3A_196, %get3A_197] {strides = array<i32>} : memref<64x256xf32, #tpu.memory_space<vmem>>, vector<1x16xf32>,
      %get3A_199 = vector.shape_cast %get3A_198 : vector<1x16xf32> to vector<16xf32>
      %add3A_200 = arith.addf %add3A_195, %get3A_199 : vector<16xf32>
      %swap3A_201 = arith.index_cast %scan3A_52 : i32 to index
      %swap3A_202 = arith.constant 96 : index
      %swap3A_203 = tpu.vector_load %arg15[%swap3A_201, %swap3A_202] {strides = array<i32>} : memref<64x256xf32, #tpu.memory_space<vmem>>, vector<1x16xf32>,
      %swap3A_204 = vector.shape_cast %swap3A_203 : vector<1x16xf32> to vector<16xf32>
      %swap3A_205 = vector.shape_cast %add3A_200 : vector<16xf32> to vector<1x16xf32>
      tpu.vector_store %arg15[%swap3A_201, %swap3A_202], %swap3A_205 {strides = array<i32>} : memref<64x256xf32, #tpu.memory_space<vmem>>, vector<1x16xf32>,
      %get3A_206 = arith.index_cast %scan3A_52 : i32 to index
      %get3A_207 = arith.constant 112 : index
      %get3A_208 = tpu.vector_load %arg12[%get3A_206, %get3A_207] {strides = array<i32>} : memref<64x256xf32, #tpu.memory_space<vmem>>, vector<1x16xf32>,
      %get3A_209 = vector.shape_cast %get3A_208 : vector<1x16xf32> to vector<16xf32>
      %mul3A_210 = arith.mulf %get3A_209, %get3A_55 : vector<16xf32>
      %get3A_211 = arith.index_cast %scan3A_52 : i32 to index
      %get3A_212 = arith.constant 112 : index
      %get3A_213 = tpu.vector_load %arg13[%get3A_211, %get3A_212] {strides = array<i32>} : memref<64x256xf32, #tpu.memory_space<vmem>>, vector<1x16xf32>,
      %get3A_214 = vector.shape_cast %get3A_213 : vector<1x16xf32> to vector<16xf32>
      %mul3A_215 = arith.mulf %get3A_214, %get3A_59 : vector<16xf32>
      %add3A_216 = arith.addf %mul3A_210, %mul3A_215 : vector<16xf32>
      %get3A_217 = arith.index_cast %scan3A_52 : i32 to index
      %get3A_218 = arith.constant 112 : index
      %get3A_219 = tpu.vector_load %arg14[%get3A_217, %get3A_218] {strides = array<i32>} : memref<64x256xf32, #tpu.memory_space<vmem>>, vector<1x16xf32>,
      %get3A_220 = vector.shape_cast %get3A_219 : vector<1x16xf32> to vector<16xf32>
      %add3A_221 = arith.addf %add3A_216, %get3A_220 : vector<16xf32>
      %swap3A_222 = arith.index_cast %scan3A_52 : i32 to index
      %swap3A_223 = arith.constant 112 : index
      %swap3A_224 = tpu.vector_load %arg15[%swap3A_222, %swap3A_223] {strides = array<i32>} : memref<64x256xf32, #tpu.memory_space<vmem>>, vector<1x16xf32>,
      %swap3A_225 = vector.shape_cast %swap3A_224 : vector<1x16xf32> to vector<16xf32>
      %swap3A_226 = vector.shape_cast %add3A_221 : vector<16xf32> to vector<1x16xf32>
      tpu.vector_store %arg15[%swap3A_222, %swap3A_223], %swap3A_226 {strides = array<i32>} : memref<64x256xf32, #tpu.memory_space<vmem>>, vector<1x16xf32>,
      %get3A_227 = arith.index_cast %scan3A_52 : i32 to index
      %get3A_228 = arith.constant 128 : index
      %get3A_229 = tpu.vector_load %arg12[%get3A_227, %get3A_228] {strides = array<i32>} : memref<64x256xf32, #tpu.memory_space<vmem>>, vector<1x16xf32>,
      %get3A_230 = vector.shape_cast %get3A_229 : vector<1x16xf32> to vector<16xf32>
      %mul3A_231 = arith.mulf %get3A_230, %get3A_55 : vector<16xf32>
      %get3A_232 = arith.index_cast %scan3A_52 : i32 to index
      %get3A_233 = arith.constant 128 : index
      %get3A_234 = tpu.vector_load %arg13[%get3A_232, %get3A_233] {strides = array<i32>} : memref<64x256xf32, #tpu.memory_space<vmem>>, vector<1x16xf32>,
      %get3A_235 = vector.shape_cast %get3A_234 : vector<1x16xf32> to vector<16xf32>
      %mul3A_236 = arith.mulf %get3A_235, %get3A_59 : vector<16xf32>
      %add3A_237 = arith.addf %mul3A_231, %mul3A_236 : vector<16xf32>
      %get3A_238 = arith.index_cast %scan3A_52 : i32 to index
      %get3A_239 = arith.constant 128 : index
      %get3A_240 = tpu.vector_load %arg14[%get3A_238, %get3A_239] {strides = array<i32>} : memref<64x256xf32, #tpu.memory_space<vmem>>, vector<1x16xf32>,
      %get3A_241 = vector.shape_cast %get3A_240 : vector<1x16xf32> to vector<16xf32>
      %add3A_242 = arith.addf %add3A_237, %get3A_241 : vector<16xf32>
      %swap3A_243 = arith.index_cast %scan3A_52 : i32 to index
      %swap3A_244 = arith.constant 128 : index
      %swap3A_245 = tpu.vector_load %arg15[%swap3A_243, %swap3A_244] {strides = array<i32>} : memref<64x256xf32, #tpu.memory_space<vmem>>, vector<1x16xf32>,
      %swap3A_246 = vector.shape_cast %swap3A_245 : vector<1x16xf32> to vector<16xf32>
      %swap3A_247 = vector.shape_cast %add3A_242 : vector<16xf32> to vector<1x16xf32>
      tpu.vector_store %arg15[%swap3A_243, %swap3A_244], %swap3A_247 {strides = array<i32>} : memref<64x256xf32, #tpu.memory_space<vmem>>, vector<1x16xf32>,
      %get3A_248 = arith.index_cast %scan3A_52 : i32 to index
      %get3A_249 = arith.constant 144 : index
      %get3A_250 = tpu.vector_load %arg12[%get3A_248, %get3A_249] {strides = array<i32>} : memref<64x256xf32, #tpu.memory_space<vmem>>, vector<1x16xf32>,
      %get3A_251 = vector.shape_cast %get3A_250 : vector<1x16xf32> to vector<16xf32>
      %mul3A_252 = arith.mulf %get3A_251, %get3A_55 : vector<16xf32>
      %get3A_253 = arith.index_cast %scan3A_52 : i32 to index
      %get3A_254 = arith.constant 144 : index
      %get3A_255 = tpu.vector_load %arg13[%get3A_253, %get3A_254] {strides = array<i32>} : memref<64x256xf32, #tpu.memory_space<vmem>>, vector<1x16xf32>,
      %get3A_256 = vector.shape_cast %get3A_255 : vector<1x16xf32> to vector<16xf32>
      %mul3A_257 = arith.mulf %get3A_256, %get3A_59 : vector<16xf32>
      %add3A_258 = arith.addf %mul3A_252, %mul3A_257 : vector<16xf32>
      %get3A_259 = arith.index_cast %scan3A_52 : i32 to index
      %get3A_260 = arith.constant 144 : index
      %get3A_261 = tpu.vector_load %arg14[%get3A_259, %get3A_260] {strides = array<i32>} : memref<64x256xf32, #tpu.memory_space<vmem>>, vector<1x16xf32>,
      %get3A_262 = vector.shape_cast %get3A_261 : vector<1x16xf32> to vector<16xf32>
      %add3A_263 = arith.addf %add3A_258, %get3A_262 : vector<16xf32>
      %swap3A_264 = arith.index_cast %scan3A_52 : i32 to index
      %swap3A_265 = arith.constant 144 : index
      %swap3A_266 = tpu.vector_load %arg15[%swap3A_264, %swap3A_265] {strides = array<i32>} : memref<64x256xf32, #tpu.memory_space<vmem>>, vector<1x16xf32>,
      %swap3A_267 = vector.shape_cast %swap3A_266 : vector<1x16xf32> to vector<16xf32>
      %swap3A_268 = vector.shape_cast %add3A_263 : vector<16xf32> to vector<1x16xf32>
      tpu.vector_store %arg15[%swap3A_264, %swap3A_265], %swap3A_268 {strides = array<i32>} : memref<64x256xf32, #tpu.memory_space<vmem>>, vector<1x16xf32>,
      %get3A_269 = arith.index_cast %scan3A_52 : i32 to index
      %get3A_270 = arith.constant 160 : index
      %get3A_271 = tpu.vector_load %arg12[%get3A_269, %get3A_270] {strides = array<i32>} : memref<64x256xf32, #tpu.memory_space<vmem>>, vector<1x16xf32>,
      %get3A_272 = vector.shape_cast %get3A_271 : vector<1x16xf32> to vector<16xf32>
      %mul3A_273 = arith.mulf %get3A_272, %get3A_55 : vector<16xf32>
      %get3A_274 = arith.index_cast %scan3A_52 : i32 to index
      %get3A_275 = arith.constant 160 : index
      %get3A_276 = tpu.vector_load %arg13[%get3A_274, %get3A_275] {strides = array<i32>} : memref<64x256xf32, #tpu.memory_space<vmem>>, vector<1x16xf32>,
      %get3A_277 = vector.shape_cast %get3A_276 : vector<1x16xf32> to vector<16xf32>
      %mul3A_278 = arith.mulf %get3A_277, %get3A_59 : vector<16xf32>
      %add3A_279 = arith.addf %mul3A_273, %mul3A_278 : vector<16xf32>
      %get3A_280 = arith.index_cast %scan3A_52 : i32 to index
      %get3A_281 = arith.constant 160 : index
      %get3A_282 = tpu.vector_load %arg14[%get3A_280, %get3A_281] {strides = array<i32>} : memref<64x256xf32, #tpu.memory_space<vmem>>, vector<1x16xf32>,
      %get3A_283 = vector.shape_cast %get3A_282 : vector<1x16xf32> to vector<16xf32>
      %add3A_284 = arith.addf %add3A_279, %get3A_283 : vector<16xf32>
      %swap3A_285 = arith.index_cast %scan3A_52 : i32 to index
      %swap3A_286 = arith.constant 160 : index
      %swap3A_287 = tpu.vector_load %arg15[%swap3A_285, %swap3A_286] {strides = array<i32>} : memref<64x256xf32, #tpu.memory_space<vmem>>, vector<1x16xf32>,
      %swap3A_288 = vector.shape_cast %swap3A_287 : vector<1x16xf32> to vector<16xf32>
      %swap3A_289 = vector.shape_cast %add3A_284 : vector<16xf32> to vector<1x16xf32>
      tpu.vector_store %arg15[%swap3A_285, %swap3A_286], %swap3A_289 {strides = array<i32>} : memref<64x256xf32, #tpu.memory_space<vmem>>, vector<1x16xf32>,
      %get3A_290 = arith.index_cast %scan3A_52 : i32 to index
      %get3A_291 = arith.constant 176 : index
      %get3A_292 = tpu.vector_load %arg12[%get3A_290, %get3A_291] {strides = array<i32>} : memref<64x256xf32, #tpu.memory_space<vmem>>, vector<1x16xf32>,
      %get3A_293 = vector.shape_cast %get3A_292 : vector<1x16xf32> to vector<16xf32>
      %mul3A_294 = arith.mulf %get3A_293, %get3A_55 : vector<16xf32>
      %get3A_295 = arith.index_cast %scan3A_52 : i32 to index
      %get3A_296 = arith.constant 176 : index
      %get3A_297 = tpu.vector_load %arg13[%get3A_295, %get3A_296] {strides = array<i32>} : memref<64x256xf32, #tpu.memory_space<vmem>>, vector<1x16xf32>,
      %get3A_298 = vector.shape_cast %get3A_297 : vector<1x16xf32> to vector<16xf32>
      %mul3A_299 = arith.mulf %get3A_298, %get3A_59 : vector<16xf32>
      %add3A_300 = arith.addf %mul3A_294, %mul3A_299 : vector<16xf32>
      %get3A_301 = arith.index_cast %scan3A_52 : i32 to index
      %get3A_302 = arith.constant 176 : index
      %get3A_303 = tpu.vector_load %arg14[%get3A_301, %get3A_302] {strides = array<i32>} : memref<64x256xf32, #tpu.memory_space<vmem>>, vector<1x16xf32>,
      %get3A_304 = vector.shape_cast %get3A_303 : vector<1x16xf32> to vector<16xf32>
      %add3A_305 = arith.addf %add3A_300, %get3A_304 : vector<16xf32>
      %swap3A_306 = arith.index_cast %scan3A_52 : i32 to index
      %swap3A_307 = arith.constant 176 : index
      %swap3A_308 = tpu.vector_load %arg15[%swap3A_306, %swap3A_307] {strides = array<i32>} : memref<64x256xf32, #tpu.memory_space<vmem>>, vector<1x16xf32>,
      %swap3A_309 = vector.shape_cast %swap3A_308 : vector<1x16xf32> to vector<16xf32>
      %swap3A_310 = vector.shape_cast %add3A_305 : vector<16xf32> to vector<1x16xf32>
      tpu.vector_store %arg15[%swap3A_306, %swap3A_307], %swap3A_310 {strides = array<i32>} : memref<64x256xf32, #tpu.memory_space<vmem>>, vector<1x16xf32>,
      %get3A_311 = arith.index_cast %scan3A_52 : i32 to index
      %get3A_312 = arith.constant 192 : index
      %get3A_313 = tpu.vector_load %arg12[%get3A_311, %get3A_312] {strides = array<i32>} : memref<64x256xf32, #tpu.memory_space<vmem>>, vector<1x16xf32>,
      %get3A_314 = vector.shape_cast %get3A_313 : vector<1x16xf32> to vector<16xf32>
      %mul3A_315 = arith.mulf %get3A_314, %get3A_55 : vector<16xf32>
      %get3A_316 = arith.index_cast %scan3A_52 : i32 to index
      %get3A_317 = arith.constant 192 : index
      %get3A_318 = tpu.vector_load %arg13[%get3A_316, %get3A_317] {strides = array<i32>} : memref<64x256xf32, #tpu.memory_space<vmem>>, vector<1x16xf32>,
      %get3A_319 = vector.shape_cast %get3A_318 : vector<1x16xf32> to vector<16xf32>
      %mul3A_320 = arith.mulf %get3A_319, %get3A_59 : vector<16xf32>
      %add3A_321 = arith.addf %mul3A_315, %mul3A_320 : vector<16xf32>
      %get3A_322 = arith.index_cast %scan3A_52 : i32 to index
      %get3A_323 = arith.constant 192 : index
      %get3A_324 = tpu.vector_load %arg14[%get3A_322, %get3A_323] {strides = array<i32>} : memref<64x256xf32, #tpu.memory_space<vmem>>, vector<1x16xf32>,
      %get3A_325 = vector.shape_cast %get3A_324 : vector<1x16xf32> to vector<16xf32>
      %add3A_326 = arith.addf %add3A_321, %get3A_325 : vector<16xf32>
      %swap3A_327 = arith.index_cast %scan3A_52 : i32 to index
      %swap3A_328 = arith.constant 192 : index
      %swap3A_329 = tpu.vector_load %arg15[%swap3A_327, %swap3A_328] {strides = array<i32>} : memref<64x256xf32, #tpu.memory_space<vmem>>, vector<1x16xf32>,
      %swap3A_330 = vector.shape_cast %swap3A_329 : vector<1x16xf32> to vector<16xf32>
      %swap3A_331 = vector.shape_cast %add3A_326 : vector<16xf32> to vector<1x16xf32>
      tpu.vector_store %arg15[%swap3A_327, %swap3A_328], %swap3A_331 {strides = array<i32>} : memref<64x256xf32, #tpu.memory_space<vmem>>, vector<1x16xf32>,
      %get3A_332 = arith.index_cast %scan3A_52 : i32 to index
      %get3A_333 = arith.constant 208 : index
      %get3A_334 = tpu.vector_load %arg12[%get3A_332, %get3A_333] {strides = array<i32>} : memref<64x256xf32, #tpu.memory_space<vmem>>, vector<1x16xf32>,
      %get3A_335 = vector.shape_cast %get3A_334 : vector<1x16xf32> to vector<16xf32>
      %mul3A_336 = arith.mulf %get3A_335, %get3A_55 : vector<16xf32>
      %get3A_337 = arith.index_cast %scan3A_52 : i32 to index
      %get3A_338 = arith.constant 208 : index
      %get3A_339 = tpu.vector_load %arg13[%get3A_337, %get3A_338] {strides = array<i32>} : memref<64x256xf32, #tpu.memory_space<vmem>>, vector<1x16xf32>,
      %get3A_340 = vector.shape_cast %get3A_339 : vector<1x16xf32> to vector<16xf32>
      %mul3A_341 = arith.mulf %get3A_340, %get3A_59 : vector<16xf32>
      %add3A_342 = arith.addf %mul3A_336, %mul3A_341 : vector<16xf32>
      %get3A_343 = arith.index_cast %scan3A_52 : i32 to index
      %get3A_344 = arith.constant 208 : index
      %get3A_345 = tpu.vector_load %arg14[%get3A_343, %get3A_344] {strides = array<i32>} : memref<64x256xf32, #tpu.memory_space<vmem>>, vector<1x16xf32>,
      %get3A_346 = vector.shape_cast %get3A_345 : vector<1x16xf32> to vector<16xf32>
      %add3A_347 = arith.addf %add3A_342, %get3A_346 : vector<16xf32>
      %swap3A_348 = arith.index_cast %scan3A_52 : i32 to index
      %swap3A_349 = arith.constant 208 : index
      %swap3A_350 = tpu.vector_load %arg15[%swap3A_348, %swap3A_349] {strides = array<i32>} : memref<64x256xf32, #tpu.memory_space<vmem>>, vector<1x16xf32>,
      %swap3A_351 = vector.shape_cast %swap3A_350 : vector<1x16xf32> to vector<16xf32>
      %swap3A_352 = vector.shape_cast %add3A_347 : vector<16xf32> to vector<1x16xf32>
      tpu.vector_store %arg15[%swap3A_348, %swap3A_349], %swap3A_352 {strides = array<i32>} : memref<64x256xf32, #tpu.memory_space<vmem>>, vector<1x16xf32>,
      %get3A_353 = arith.index_cast %scan3A_52 : i32 to index
      %get3A_354 = arith.constant 224 : index
      %get3A_355 = tpu.vector_load %arg12[%get3A_353, %get3A_354] {strides = array<i32>} : memref<64x256xf32, #tpu.memory_space<vmem>>, vector<1x16xf32>,
      %get3A_356 = vector.shape_cast %get3A_355 : vector<1x16xf32> to vector<16xf32>
      %mul3A_357 = arith.mulf %get3A_356, %get3A_55 : vector<16xf32>
      %get3A_358 = arith.index_cast %scan3A_52 : i32 to index
      %get3A_359 = arith.constant 224 : index
      %get3A_360 = tpu.vector_load %arg13[%get3A_358, %get3A_359] {strides = array<i32>} : memref<64x256xf32, #tpu.memory_space<vmem>>, vector<1x16xf32>,
      %get3A_361 = vector.shape_cast %get3A_360 : vector<1x16xf32> to vector<16xf32>
      %mul3A_362 = arith.mulf %get3A_361, %get3A_59 : vector<16xf32>
      %add3A_363 = arith.addf %mul3A_357, %mul3A_362 : vector<16xf32>
      %get3A_364 = arith.index_cast %scan3A_52 : i32 to index
      %get3A_365 = arith.constant 224 : index
      %get3A_366 = tpu.vector_load %arg14[%get3A_364, %get3A_365] {strides = array<i32>} : memref<64x256xf32, #tpu.memory_space<vmem>>, vector<1x16xf32>,
      %get3A_367 = vector.shape_cast %get3A_366 : vector<1x16xf32> to vector<16xf32>
      %add3A_368 = arith.addf %add3A_363, %get3A_367 : vector<16xf32>
      %swap3A_369 = arith.index_cast %scan3A_52 : i32 to index
      %swap3A_370 = arith.constant 224 : index
      %swap3A_371 = tpu.vector_load %arg15[%swap3A_369, %swap3A_370] {strides = array<i32>} : memref<64x256xf32, #tpu.memory_space<vmem>>, vector<1x16xf32>,
      %swap3A_372 = vector.shape_cast %swap3A_371 : vector<1x16xf32> to vector<16xf32>
      %swap3A_373 = vector.shape_cast %add3A_368 : vector<16xf32> to vector<1x16xf32>
      tpu.vector_store %arg15[%swap3A_369, %swap3A_370], %swap3A_373 {strides = array<i32>} : memref<64x256xf32, #tpu.memory_space<vmem>>, vector<1x16xf32>,
      %get3A_374 = arith.index_cast %scan3A_52 : i32 to index
      %get3A_375 = arith.constant 240 : index
      %get3A_376 = tpu.vector_load %arg12[%get3A_374, %get3A_375] {strides = array<i32>} : memref<64x256xf32, #tpu.memory_space<vmem>>, vector<1x16xf32>,
      %get3A_377 = vector.shape_cast %get3A_376 : vector<1x16xf32> to vector<16xf32>
      %mul3A_378 = arith.mulf %get3A_377, %get3A_55 : vector<16xf32>
      %get3A_379 = arith.index_cast %scan3A_52 : i32 to index
      %get3A_380 = arith.constant 240 : index
      %get3A_381 = tpu.vector_load %arg13[%get3A_379, %get3A_380] {strides = array<i32>} : memref<64x256xf32, #tpu.memory_space<vmem>>, vector<1x16xf32>,
      %get3A_382 = vector.shape_cast %get3A_381 : vector<1x16xf32> to vector<16xf32>
      %mul3A_383 = arith.mulf %get3A_382, %get3A_59 : vector<16xf32>
      %add3A_384 = arith.addf %mul3A_378, %mul3A_383 : vector<16xf32>
      %get3A_385 = arith.index_cast %scan3A_52 : i32 to index
      %get3A_386 = arith.constant 240 : index
      %get3A_387 = tpu.vector_load %arg14[%get3A_385, %get3A_386] {strides = array<i32>} : memref<64x256xf32, #tpu.memory_space<vmem>>, vector<1x16xf32>,
      %get3A_388 = vector.shape_cast %get3A_387 : vector<1x16xf32> to vector<16xf32>
      %add3A_389 = arith.addf %add3A_384, %get3A_388 : vector<16xf32>
      %swap3A_390 = arith.index_cast %scan3A_52 : i32 to index
      %swap3A_391 = arith.constant 240 : index
      %swap3A_392 = tpu.vector_load %arg15[%swap3A_390, %swap3A_391] {strides = array<i32>} : memref<64x256xf32, #tpu.memory_space<vmem>>, vector<1x16xf32>,
      %swap3A_393 = vector.shape_cast %swap3A_392 : vector<1x16xf32> to vector<16xf32>
      %swap3A_394 = vector.shape_cast %add3A_389 : vector<16xf32> to vector<1x16xf32>
      tpu.vector_store %arg15[%swap3A_390, %swap3A_391], %swap3A_394 {strides = array<i32>} : memref<64x256xf32, #tpu.memory_space<vmem>>, vector<1x16xf32>,
    }
    %scan3A_51 = arith.constant 64 : i32
    "tpu.region"() ({
      %run_scoped3A = tpu.sem_alloc : memref<!tpu.dma_semaphore, #tpu.memory_space<semaphore_mem>>
      %dma_start3A_52 = arith.constant 0 : i32
      %dma_start3A_53 = tpu.memref_slice %arg7[%mul3A_2, %dma_start3A_52] : memref<2048x256xf32, #tpu.memory_space<hbm>> -> memref<64x256xf32, #tpu.memory_space<hbm>>
      %dma_start3A_54 = arith.constant 0 : i32
      %dma_start3A_55 = tpu.memref_slice %arg7[%mul3A_2, %dma_start3A_54] : memref<2048x256xf32, #tpu.memory_space<hbm>> -> memref<64x256xf32, #tpu.memory_space<hbm>>
      tpu.enqueue_dma source(%arg15 : memref<64x256xf32, #tpu.memory_space<vmem>>) target(%dma_start3A_55 : memref<64x256xf32, #tpu.memory_space<hbm>>) target_semaphore(%run_scoped3A : memref<!tpu.dma_semaphore, #tpu.memory_space<semaphore_mem>>)
      %dma_wait3A_56 = arith.constant 0 : i32
      %dma_wait3A_57 = tpu.memref_slice %arg7[%mul3A_2, %dma_wait3A_56] : memref<2048x256xf32, #tpu.memory_space<hbm>> -> memref<64x256xf32, #tpu.memory_space<hbm>>
      %dma_wait3A_58 = arith.constant 0 : i32
      %dma_wait3A_59 = tpu.memref_slice %arg7[%mul3A_2, %dma_wait3A_58] : memref<2048x256xf32, #tpu.memory_space<hbm>> -> memref<64x256xf32, #tpu.memory_space<hbm>>
      tpu.wait_dma2 semaphore(%run_scoped3A : memref<!tpu.dma_semaphore, #tpu.memory_space<semaphore_mem>>) src(%arg15 : memref<64x256xf32, #tpu.memory_space<vmem>>) dst(%dma_wait3A_59 : memref<64x256xf32, #tpu.memory_space<hbm>>)
      tpu.yield
    }) : () -> ()
    return
  }
}

module attributes {stable_mosaic.version = 14 : i64} {
  func.func @_gmm_body(%arg0: i32, %arg1: memref<1x1xi32, #tpu.memory_space<smem>>, %arg2: memref<128x1xi32, #tpu.memory_space<smem>>, %arg3: memref<128x768xf32, #tpu.memory_space<vmem>>, %arg4: memref<1x768x256xf32, #tpu.memory_space<vmem>>, %arg5: memref<128x256xf32, #tpu.memory_space<vmem>>) attributes {dimension_semantics = [#tpu.dimension_semantics<arbitrary>], iteration_bounds = array<i64: 95>, scalar_prefetch = 2 : i64, scratch_operands = 0 : i64, tpu.core_type = #tpu.core_type<tc>, window_params = [{transform_indices = @transform_0, window_bounds = array<i64: 128, 768>}, {transform_indices = @transform_1, window_bounds = array<i64: 1, 768, 256>}, {transform_indices = @transform_2, window_bounds = array<i64: 128, 256>}]} {
    %get3A = arith.constant 0 : index
    %get3A_0 = arith.constant 0 : index
    %get3A_1 = memref.load %arg1[%get3A, %get3A_0] : memref<1x1xi32, #tpu.memory_space<smem>>
    %lt3A = arith.cmpi slt, %arg0, %get3A_1 : i32
    %convert_element_type3A = arith.extui %lt3A : i1 to i32
    %cond3A = arith.constant 0 : i32
    %cond3A_2 = arith.cmpi ne, %convert_element_type3A, %cond3A : i32
    scf.if %cond3A_2 {
      %get3A_3 = arith.constant 0 : index
      %get3A_4 = arith.constant 0 : index
      %get3A_5 = vector.load %arg3[%get3A_3, %get3A_4] : memref<128x768xf32, #tpu.memory_space<vmem>>, vector<128x768xf32>
      %get3A_6 = arith.constant 0 : index
      %get3A_7 = arith.constant 0 : index
      %get3A_8 = arith.constant 0 : index
      %get3A_9 = vector.load %arg4[%get3A_6, %get3A_7, %get3A_8] : memref<1x768x256xf32, #tpu.memory_space<vmem>>, vector<1x768x256xf32>
      %get3A_10 = vector.shape_cast %get3A_9 : vector<1x768x256xf32> to vector<768x256xf32>
      %dot_general3A = arith.constant dense<0.000000e+00> : vector<128x256xf32>
      %dot_general3A_11 = tpu.matmul %get3A_5, %get3A_10, %dot_general3A {dimension_numbers = #tpu.dot_dimension_numbers<[1], [0], [0], [1], [0, 0, 1, 1], [], []>, transpose_lhs_hint = false} : vector<128x768xf32>, vector<768x256xf32>, vector<128x256xf32> -> vector<128x256xf32>
      %swap3A = arith.constant 0 : index
      %swap3A_12 = arith.constant 0 : index
      %swap3A_13 = vector.load %arg5[%swap3A, %swap3A_12] : memref<128x256xf32, #tpu.memory_space<vmem>>, vector<128x256xf32>
      tpu.vector_store %arg5[%swap3A, %swap3A_12], %dot_general3A_11 {strides = array<i32>} : memref<128x256xf32, #tpu.memory_space<vmem>>, vector<128x256xf32>,
    } else {
    }
    return
  }
  func.func @transform_0(%arg0: i32, %arg1: memref<1x1xi32, #tpu.memory_space<smem>>, %arg2: memref<128x1xi32, #tpu.memory_space<smem>>) -> (i32, i32) {
    %get3A = arith.constant 0 : index
    %get3A_0 = arith.constant 0 : index
    %get3A_1 = memref.load %arg1[%get3A, %get3A_0] : memref<1x1xi32, #tpu.memory_space<smem>>
    %sub3A = arith.constant 1 : i32
    %sub3A_2 = arith.subi %get3A_1, %sub3A : i32
    %min3A = arith.minsi %arg0, %sub3A_2 : i32
    %c0_i32 = arith.constant 0 : i32
    %c0_i32_3 = arith.constant 0 : i32
    return %min3A, %c0_i32 : i32, i32
  }
  func.func @transform_1(%arg0: i32, %arg1: memref<1x1xi32, #tpu.memory_space<smem>>, %arg2: memref<128x1xi32, #tpu.memory_space<smem>>) -> (i32, i32, i32) {
    %get3A = arith.index_cast %arg0 : i32 to index
    %get3A_0 = arith.constant 0 : index
    %get3A_1 = memref.load %arg2[%get3A, %get3A_0] : memref<128x1xi32, #tpu.memory_space<smem>>
    %c0_i32 = arith.constant 0 : i32
    %c0_i32_2 = arith.constant 0 : i32
    %c0_i32_3 = arith.constant 0 : i32
    return %get3A_1, %c0_i32, %c0_i32_2 : i32, i32, i32
  }
  func.func @transform_2(%arg0: i32, %arg1: memref<1x1xi32, #tpu.memory_space<smem>>, %arg2: memref<128x1xi32, #tpu.memory_space<smem>>) -> (i32, i32) {
    %get3A = arith.constant 0 : index
    %get3A_0 = arith.constant 0 : index
    %get3A_1 = memref.load %arg1[%get3A, %get3A_0] : memref<1x1xi32, #tpu.memory_space<smem>>
    %sub3A = arith.constant 1 : i32
    %sub3A_2 = arith.subi %get3A_1, %sub3A : i32
    %min3A = arith.minsi %arg0, %sub3A_2 : i32
    %c0_i32 = arith.constant 0 : i32
    %c0_i32_3 = arith.constant 0 : i32
    return %min3A, %c0_i32 : i32, i32
  }
}

module attributes {stable_mosaic.version = 14 : i64} {
  func.func @_route_body(%arg0: i32, %arg1: memref<2048x768xf32, #tpu.memory_space<vmem>>, %arg2: memref<768x64xf32, #tpu.memory_space<vmem>>, %arg3: memref<1x64xf32, #tpu.memory_space<vmem>>, %arg4: memref<64x256xf32, #tpu.memory_space<vmem>>, %arg5: memref<32x128xi32, #tpu.memory_space<vmem>>, %arg6: memref<2048x16xf32, #tpu.memory_space<vmem>>, %arg7: memref<2048x16xf32, #tpu.memory_space<vmem>>, %arg8: memref<2048x256xf32, #tpu.memory_space<vmem>>, %arg9: memref<128x1xi32, #tpu.memory_space<vmem>>, %arg10: memref<1x1xi32, #tpu.memory_space<smem>>) attributes {dimension_semantics = [#tpu.dimension_semantics<arbitrary>], iteration_bounds = array<i64: 1>, scalar_prefetch = 0 : i64, scratch_operands = 0 : i64, tpu.core_type = #tpu.core_type<tc>, window_params = [{pipeline_mode = #tpu.pipeline_mode<synchronous>, transform_indices = @transform_0, window_bounds = array<i64: 2048, 768>}, {pipeline_mode = #tpu.pipeline_mode<synchronous>, transform_indices = @transform_1, window_bounds = array<i64: 768, 64>}, {pipeline_mode = #tpu.pipeline_mode<synchronous>, transform_indices = @transform_2, window_bounds = array<i64: 1, 64>}, {pipeline_mode = #tpu.pipeline_mode<synchronous>, transform_indices = @transform_3, window_bounds = array<i64: 64, 256>}, {pipeline_mode = #tpu.pipeline_mode<synchronous>, transform_indices = @transform_4, window_bounds = array<i64: 32, 128>}, {pipeline_mode = #tpu.pipeline_mode<synchronous>, transform_indices = @transform_5, window_bounds = array<i64: 2048, 16>}, {pipeline_mode = #tpu.pipeline_mode<synchronous>, transform_indices = @transform_6, window_bounds = array<i64: 2048, 16>}, {pipeline_mode = #tpu.pipeline_mode<synchronous>, transform_indices = @transform_7, window_bounds = array<i64: 2048, 256>}, {pipeline_mode = #tpu.pipeline_mode<synchronous>, transform_indices = @transform_8, window_bounds = array<i64: 128, 1>}, {transform_indices = @transform_9, window_bounds = array<i64: 1, 1>}]} {
    %get3A = arith.constant 0 : index
    %get3A_0 = arith.constant 0 : index
    %get3A_1 = vector.load %arg1[%get3A, %get3A_0] : memref<2048x768xf32, #tpu.memory_space<vmem>>, vector<2048x768xf32>
    %get3A_2 = arith.constant 0 : index
    %get3A_3 = arith.constant 0 : index
    %get3A_4 = vector.load %arg2[%get3A_2, %get3A_3] : memref<768x64xf32, #tpu.memory_space<vmem>>, vector<768x64xf32>
    %dot_general3A = arith.constant dense<0.000000e+00> : vector<2048x64xf32>
    %dot_general3A_5 = tpu.matmul %get3A_1, %get3A_4, %dot_general3A {dimension_numbers = #tpu.dot_dimension_numbers<[1], [0], [0], [1], [0, 0, 1, 1], [], []>, transpose_lhs_hint = false} : vector<2048x768xf32>, vector<768x64xf32>, vector<2048x64xf32> -> vector<2048x64xf32>
    %get3A_6 = arith.constant 0 : index
    %get3A_7 = arith.constant 0 : index
    %get3A_8 = vector.load %arg3[%get3A_6, %get3A_7] : memref<1x64xf32, #tpu.memory_space<vmem>>, vector<1x64xf32>
    %add3A = vector.broadcast %get3A_8 : vector<1x64xf32> to vector<2048x64xf32>
    %add3A_9 = arith.addf %dot_general3A_5, %add3A : vector<2048x64xf32>
    %reduce_max3A = arith.constant dense<0xFF800000> : vector<2048xf32>
    %reduce_max3A_10 = vector.multi_reduction <maximumf>, %add3A_9, %reduce_max3A [1] : vector<2048x64xf32> to vector<2048xf32>
    %broadcast_in_dim3A = vector.shape_cast %reduce_max3A_10 : vector<2048xf32> to vector<2048x1xf32>
    %sub3A = vector.broadcast %broadcast_in_dim3A : vector<2048x1xf32> to vector<2048x64xf32>
    %sub3A_11 = arith.subf %add3A_9, %sub3A : vector<2048x64xf32>
    %exp3A = math.exp %sub3A_11 : vector<2048x64xf32>
    %reduce_sum3A = arith.constant dense<0.000000e+00> : vector<2048xf32>
    %reduce_sum3A_12 = vector.multi_reduction <add>, %exp3A, %reduce_sum3A [1] : vector<2048x64xf32> to vector<2048xf32>
    %broadcast_in_dim3A_13 = vector.shape_cast %reduce_sum3A_12 : vector<2048xf32> to vector<2048x1xf32>
    %div3A = vector.broadcast %broadcast_in_dim3A_13 : vector<2048x1xf32> to vector<2048x64xf32>
    %div3A_14 = arith.divf %exp3A, %div3A : vector<2048x64xf32>
    %iota3A = tpu.iota {dimensions = array<i32: 1>} : vector<2048x64xi32>
    %reduce_max3A_15 = arith.constant dense<0xFF800000> : vector<2048xf32>
    %reduce_max3A_16 = vector.multi_reduction <maximumf>, %div3A_14, %reduce_max3A_15 [1] : vector<2048x64xf32> to vector<2048xf32>
    %broadcast_in_dim3A_17 = vector.shape_cast %reduce_max3A_16 : vector<2048xf32> to vector<2048x1xf32>
    %eq3A = vector.broadcast %broadcast_in_dim3A_17 : vector<2048x1xf32> to vector<2048x64xf32>
    %eq3A_18 = arith.cmpf oeq, %div3A_14, %eq3A : vector<2048x64xf32>
    %jit3A = arith.constant 64 : i32
    %broadcast_in_dim3A_19 = vector.broadcast %jit3A : i32 to vector<2048x64xi32>
    %select_n3A = arith.select %eq3A_18, %iota3A, %broadcast_in_dim3A_19 : vector<2048x64xi1>, vector<2048x64xi32>
    %reduce_min3A = arith.constant dense<2147483647> : vector<2048xi32>
    %reduce_min3A_20 = vector.multi_reduction <minsi>, %select_n3A, %reduce_min3A [1] : vector<2048x64xi32> to vector<2048xi32>
    %broadcast_in_dim3A_21 = vector.shape_cast %reduce_min3A_20 : vector<2048xi32> to vector<2048x1xi32>
    %eq3A_22 = vector.broadcast %broadcast_in_dim3A_21 : vector<2048x1xi32> to vector<2048x64xi32>
    %eq3A_23 = arith.cmpi eq, %iota3A, %eq3A_22 : vector<2048x64xi32>
    %jit3A_24 = arith.constant 0xFF800000 : f32
    %broadcast_in_dim3A_25 = vector.broadcast %jit3A_24 : f32 to vector<2048x64xf32>
    %select_n3A_26 = arith.select %eq3A_23, %broadcast_in_dim3A_25, %div3A_14 : vector<2048x64xi1>, vector<2048x64xf32>
    %reduce_max3A_27 = arith.constant dense<0xFF800000> : vector<2048xf32>
    %reduce_max3A_28 = vector.multi_reduction <maximumf>, %select_n3A_26, %reduce_max3A_27 [1] : vector<2048x64xf32> to vector<2048xf32>
    %broadcast_in_dim3A_29 = vector.shape_cast %reduce_max3A_28 : vector<2048xf32> to vector<2048x1xf32>
    %eq3A_30 = vector.broadcast %broadcast_in_dim3A_29 : vector<2048x1xf32> to vector<2048x64xf32>
    %eq3A_31 = arith.cmpf oeq, %select_n3A_26, %eq3A_30 : vector<2048x64xf32>
    %jit3A_32 = arith.constant 64 : i32
    %broadcast_in_dim3A_33 = vector.broadcast %jit3A_32 : i32 to vector<2048x64xi32>
    %select_n3A_34 = arith.select %eq3A_31, %iota3A, %broadcast_in_dim3A_33 : vector<2048x64xi1>, vector<2048x64xi32>
    %reduce_min3A_35 = arith.constant dense<2147483647> : vector<2048xi32>
    %reduce_min3A_36 = vector.multi_reduction <minsi>, %select_n3A_34, %reduce_min3A_35 [1] : vector<2048x64xi32> to vector<2048xi32>
    %broadcast_in_dim3A_37 = vector.shape_cast %reduce_min3A_36 : vector<2048xi32> to vector<2048x1xi32>
    %eq3A_38 = vector.broadcast %broadcast_in_dim3A_21 : vector<2048x1xi32> to vector<2048x64xi32>
    %eq3A_39 = arith.cmpi eq, %iota3A, %eq3A_38 : vector<2048x64xi32>
    %convert_element_type3A = arith.extui %eq3A_39 : vector<2048x64xi1> to vector<2048x64xi32>
    %convert_element_type3A_40 = arith.sitofp %convert_element_type3A : vector<2048x64xi32> to vector<2048x64xf32>
    %eq3A_41 = vector.broadcast %broadcast_in_dim3A_37 : vector<2048x1xi32> to vector<2048x64xi32>
    %eq3A_42 = arith.cmpi eq, %iota3A, %eq3A_41 : vector<2048x64xi32>
    %convert_element_type3A_43 = arith.extui %eq3A_42 : vector<2048x64xi1> to vector<2048x64xi32>
    %convert_element_type3A_44 = arith.sitofp %convert_element_type3A_43 : vector<2048x64xi32> to vector<2048x64xf32>
    %add3A_45 = arith.addf %convert_element_type3A_40, %convert_element_type3A_44 : vector<2048x64xf32>
    %reduce_sum3A_46 = arith.constant dense<0.000000e+00> : vector<64xf32>
    %reduce_sum3A_47 = vector.multi_reduction <add>, %add3A_45, %reduce_sum3A_46 [0] : vector<2048x64xf32> to vector<64xf32>
    %broadcast_in_dim3A_48 = vector.shape_cast %reduce_sum3A_47 : vector<64xf32> to vector<1x64xf32>
    %add3A_49 = arith.constant 1.270000e+02 : f32
    %add3A_50 = vector.broadcast %add3A_49 : f32 to vector<1x64xf32>
    %add3A_51 = arith.addf %broadcast_in_dim3A_48, %add3A_50 : vector<1x64xf32>
    %mul3A = arith.constant 7.812500e-03 : f32
    %mul3A_52 = vector.broadcast %mul3A : f32 to vector<1x64xf32>
    %mul3A_53 = arith.mulf %add3A_51, %mul3A_52 : vector<1x64xf32>
    %floor3A = math.floor %mul3A_53 : vector<1x64xf32>
    %broadcast_in_dim3A_54 = arith.constant 0.000000e+00 : f32
    %broadcast_in_dim3A_55 = vector.broadcast %broadcast_in_dim3A_54 : f32 to vector<1x1xf32>
    %slice3A = vector.extract_strided_slice %floor3A {offsets = [0, 0], sizes = [1, 63], strides = [1, 1]} : vector<1x64xf32> to vector<1x63xf32>
    %concatenate3A = tpu.concatenate %broadcast_in_dim3A_55, %slice3A in 1 : vector<1x1xf32>, vector<1x63xf32> -> vector<1x64xf32>
    %add3A_56 = arith.addf %floor3A, %concatenate3A : vector<1x64xf32>
    %broadcast_in_dim3A_57 = arith.constant 0.000000e+00 : f32
    %broadcast_in_dim3A_58 = vector.broadcast %broadcast_in_dim3A_57 : f32 to vector<1x2xf32>
    %slice3A_59 = vector.extract_strided_slice %add3A_56 {offsets = [0, 0], sizes = [1, 62], strides = [1, 1]} : vector<1x64xf32> to vector<1x62xf32>
    %concatenate3A_60 = tpu.concatenate %broadcast_in_dim3A_58, %slice3A_59 in 1 : vector<1x2xf32>, vector<1x62xf32> -> vector<1x64xf32>
    %add3A_61 = arith.addf %add3A_56, %concatenate3A_60 : vector<1x64xf32>
    %broadcast_in_dim3A_62 = arith.constant 0.000000e+00 : f32
    %broadcast_in_dim3A_63 = vector.broadcast %broadcast_in_dim3A_62 : f32 to vector<1x4xf32>
    %slice3A_64 = vector.extract_strided_slice %add3A_61 {offsets = [0, 0], sizes = [1, 60], strides = [1, 1]} : vector<1x64xf32> to vector<1x60xf32>
    %concatenate3A_65 = tpu.concatenate %broadcast_in_dim3A_63, %slice3A_64 in 1 : vector<1x4xf32>, vector<1x60xf32> -> vector<1x64xf32>
    %add3A_66 = arith.addf %add3A_61, %concatenate3A_65 : vector<1x64xf32>
    %broadcast_in_dim3A_67 = arith.constant 0.000000e+00 : f32
    %broadcast_in_dim3A_68 = vector.broadcast %broadcast_in_dim3A_67 : f32 to vector<1x8xf32>
    %slice3A_69 = vector.extract_strided_slice %add3A_66 {offsets = [0, 0], sizes = [1, 56], strides = [1, 1]} : vector<1x64xf32> to vector<1x56xf32>
    %concatenate3A_70 = tpu.concatenate %broadcast_in_dim3A_68, %slice3A_69 in 1 : vector<1x8xf32>, vector<1x56xf32> -> vector<1x64xf32>
    %add3A_71 = arith.addf %add3A_66, %concatenate3A_70 : vector<1x64xf32>
    %broadcast_in_dim3A_72 = arith.constant 0.000000e+00 : f32
    %broadcast_in_dim3A_73 = vector.broadcast %broadcast_in_dim3A_72 : f32 to vector<1x16xf32>
    %slice3A_74 = vector.extract_strided_slice %add3A_71 {offsets = [0, 0], sizes = [1, 48], strides = [1, 1]} : vector<1x64xf32> to vector<1x48xf32>
    %concatenate3A_75 = tpu.concatenate %broadcast_in_dim3A_73, %slice3A_74 in 1 : vector<1x16xf32>, vector<1x48xf32> -> vector<1x64xf32>
    %add3A_76 = arith.addf %add3A_71, %concatenate3A_75 : vector<1x64xf32>
    %broadcast_in_dim3A_77 = arith.constant 0.000000e+00 : f32
    %broadcast_in_dim3A_78 = vector.broadcast %broadcast_in_dim3A_77 : f32 to vector<1x32xf32>
    %slice3A_79 = vector.extract_strided_slice %add3A_76 {offsets = [0, 0], sizes = [1, 32], strides = [1, 1]} : vector<1x64xf32> to vector<1x32xf32>
    %concatenate3A_80 = tpu.concatenate %broadcast_in_dim3A_78, %slice3A_79 in 1 : vector<1x32xf32>, vector<1x32xf32> -> vector<1x64xf32>
    %add3A_81 = arith.addf %add3A_76, %concatenate3A_80 : vector<1x64xf32>
    %sub3A_82 = arith.subf %add3A_81, %floor3A : vector<1x64xf32>
    %mul3A_83 = arith.constant 1.280000e+02 : f32
    %mul3A_84 = vector.broadcast %mul3A_83 : f32 to vector<1x64xf32>
    %mul3A_85 = arith.mulf %sub3A_82, %mul3A_84 : vector<1x64xf32>
    %reduce_sum3A_86 = vector.shape_cast %floor3A : vector<1x64xf32> to vector<1x1x64xf32>
    %reduce_sum3A_87 = arith.constant dense<0.000000e+00> : vector<1xf32>
    %reduce_sum3A_88 = vector.multi_reduction <add>, %reduce_sum3A_86, %reduce_sum3A_87 [1, 2] : vector<1x1x64xf32> to vector<1xf32>
    %reduce_sum3A_89 = vector.shape_cast %reduce_sum3A_88 : vector<1xf32> to vector<1x1x1xf32>
    %reduce_sum3A_90 = vector.extract %reduce_sum3A_89[0, 0, 0] : f32 from vector<1x1x1xf32>
    %broadcast_in_dim3A_91 = arith.constant 0.000000e+00 : f32
    %broadcast_in_dim3A_92 = vector.broadcast %broadcast_in_dim3A_91 : f32 to vector<1x64xf32>
    %slice3A_93 = vector.extract_strided_slice %add3A_45 {offsets = [0, 0], sizes = [2047, 64], strides = [1, 1]} : vector<2048x64xf32> to vector<2047x64xf32>
    %concatenate3A_94 = tpu.concatenate %broadcast_in_dim3A_92, %slice3A_93 in 0 : vector<1x64xf32>, vector<2047x64xf32> -> vector<2048x64xf32>
    %add3A_95 = arith.addf %add3A_45, %concatenate3A_94 : vector<2048x64xf32>
    %broadcast_in_dim3A_96 = arith.constant 0.000000e+00 : f32
    %broadcast_in_dim3A_97 = vector.broadcast %broadcast_in_dim3A_96 : f32 to vector<2x64xf32>
    %slice3A_98 = vector.extract_strided_slice %add3A_95 {offsets = [0, 0], sizes = [2046, 64], strides = [1, 1]} : vector<2048x64xf32> to vector<2046x64xf32>
    %concatenate3A_99 = tpu.concatenate %broadcast_in_dim3A_97, %slice3A_98 in 0 : vector<2x64xf32>, vector<2046x64xf32> -> vector<2048x64xf32>
    %add3A_100 = arith.addf %add3A_95, %concatenate3A_99 : vector<2048x64xf32>
    %broadcast_in_dim3A_101 = arith.constant 0.000000e+00 : f32
    %broadcast_in_dim3A_102 = vector.broadcast %broadcast_in_dim3A_101 : f32 to vector<4x64xf32>
    %slice3A_103 = vector.extract_strided_slice %add3A_100 {offsets = [0, 0], sizes = [2044, 64], strides = [1, 1]} : vector<2048x64xf32> to vector<2044x64xf32>
    %concatenate3A_104 = tpu.concatenate %broadcast_in_dim3A_102, %slice3A_103 in 0 : vector<4x64xf32>, vector<2044x64xf32> -> vector<2048x64xf32>
    %add3A_105 = arith.addf %add3A_100, %concatenate3A_104 : vector<2048x64xf32>
    %broadcast_in_dim3A_106 = arith.constant 0.000000e+00 : f32
    %broadcast_in_dim3A_107 = vector.broadcast %broadcast_in_dim3A_106 : f32 to vector<8x64xf32>
    %slice3A_108 = vector.extract_strided_slice %add3A_105 {offsets = [0, 0], sizes = [2040, 64], strides = [1, 1]} : vector<2048x64xf32> to vector<2040x64xf32>
    %concatenate3A_109 = tpu.concatenate %broadcast_in_dim3A_107, %slice3A_108 in 0 : vector<8x64xf32>, vector<2040x64xf32> -> vector<2048x64xf32>
    %add3A_110 = arith.addf %add3A_105, %concatenate3A_109 : vector<2048x64xf32>
    %broadcast_in_dim3A_111 = arith.constant 0.000000e+00 : f32
    %broadcast_in_dim3A_112 = vector.broadcast %broadcast_in_dim3A_111 : f32 to vector<16x64xf32>
    %slice3A_113 = vector.extract_strided_slice %add3A_110 {offsets = [0, 0], sizes = [2032, 64], strides = [1, 1]} : vector<2048x64xf32> to vector<2032x64xf32>
    %concatenate3A_114 = tpu.concatenate %broadcast_in_dim3A_112, %slice3A_113 in 0 : vector<16x64xf32>, vector<2032x64xf32> -> vector<2048x64xf32>
    %add3A_115 = arith.addf %add3A_110, %concatenate3A_114 : vector<2048x64xf32>
    %broadcast_in_dim3A_116 = arith.constant 0.000000e+00 : f32
    %broadcast_in_dim3A_117 = vector.broadcast %broadcast_in_dim3A_116 : f32 to vector<32x64xf32>
    %slice3A_118 = vector.extract_strided_slice %add3A_115 {offsets = [0, 0], sizes = [2016, 64], strides = [1, 1]} : vector<2048x64xf32> to vector<2016x64xf32>
    %concatenate3A_119 = tpu.concatenate %broadcast_in_dim3A_117, %slice3A_118 in 0 : vector<32x64xf32>, vector<2016x64xf32> -> vector<2048x64xf32>
    %add3A_120 = arith.addf %add3A_115, %concatenate3A_119 : vector<2048x64xf32>
    %broadcast_in_dim3A_121 = arith.constant 0.000000e+00 : f32
    %broadcast_in_dim3A_122 = vector.broadcast %broadcast_in_dim3A_121 : f32 to vector<64x64xf32>
    %slice3A_123 = vector.extract_strided_slice %add3A_120 {offsets = [0, 0], sizes = [1984, 64], strides = [1, 1]} : vector<2048x64xf32> to vector<1984x64xf32>
    %concatenate3A_124 = tpu.concatenate %broadcast_in_dim3A_122, %slice3A_123 in 0 : vector<64x64xf32>, vector<1984x64xf32> -> vector<2048x64xf32>
    %add3A_125 = arith.addf %add3A_120, %concatenate3A_124 : vector<2048x64xf32>
    %broadcast_in_dim3A_126 = arith.constant 0.000000e+00 : f32
    %broadcast_in_dim3A_127 = vector.broadcast %broadcast_in_dim3A_126 : f32 to vector<128x64xf32>
    %slice3A_128 = vector.extract_strided_slice %add3A_125 {offsets = [0, 0], sizes = [1920, 64], strides = [1, 1]} : vector<2048x64xf32> to vector<1920x64xf32>
    %concatenate3A_129 = tpu.concatenate %broadcast_in_dim3A_127, %slice3A_128 in 0 : vector<128x64xf32>, vector<1920x64xf32> -> vector<2048x64xf32>
    %add3A_130 = arith.addf %add3A_125, %concatenate3A_129 : vector<2048x64xf32>
    %broadcast_in_dim3A_131 = arith.constant 0.000000e+00 : f32
    %broadcast_in_dim3A_132 = vector.broadcast %broadcast_in_dim3A_131 : f32 to vector<256x64xf32>
    %slice3A_133 = vector.extract_strided_slice %add3A_130 {offsets = [0, 0], sizes = [1792, 64], strides = [1, 1]} : vector<2048x64xf32> to vector<1792x64xf32>
    %concatenate3A_134 = tpu.concatenate %broadcast_in_dim3A_132, %slice3A_133 in 0 : vector<256x64xf32>, vector<1792x64xf32> -> vector<2048x64xf32>
    %add3A_135 = arith.addf %add3A_130, %concatenate3A_134 : vector<2048x64xf32>
    %broadcast_in_dim3A_136 = arith.constant 0.000000e+00 : f32
    %broadcast_in_dim3A_137 = vector.broadcast %broadcast_in_dim3A_136 : f32 to vector<512x64xf32>
    %slice3A_138 = vector.extract_strided_slice %add3A_135 {offsets = [0, 0], sizes = [1536, 64], strides = [1, 1]} : vector<2048x64xf32> to vector<1536x64xf32>
    %concatenate3A_139 = tpu.concatenate %broadcast_in_dim3A_137, %slice3A_138 in 0 : vector<512x64xf32>, vector<1536x64xf32> -> vector<2048x64xf32>
    %add3A_140 = arith.addf %add3A_135, %concatenate3A_139 : vector<2048x64xf32>
    %broadcast_in_dim3A_141 = arith.constant 0.000000e+00 : f32
    %broadcast_in_dim3A_142 = vector.broadcast %broadcast_in_dim3A_141 : f32 to vector<1024x64xf32>
    %slice3A_143 = vector.extract_strided_slice %add3A_140 {offsets = [0, 0], sizes = [1024, 64], strides = [1, 1]} : vector<2048x64xf32> to vector<1024x64xf32>
    %concatenate3A_144 = tpu.concatenate %broadcast_in_dim3A_142, %slice3A_143 in 0 : vector<1024x64xf32>, vector<1024x64xf32> -> vector<2048x64xf32>
    %add3A_145 = arith.addf %add3A_140, %concatenate3A_144 : vector<2048x64xf32>
    %sub3A_146 = arith.subf %add3A_145, %add3A_45 : vector<2048x64xf32>
    %add3A_147 = vector.broadcast %mul3A_85 : vector<1x64xf32> to vector<2048x64xf32>
    %add3A_148 = arith.addf %add3A_147, %sub3A_146 : vector<2048x64xf32>
    %mul3A_149 = arith.mulf %convert_element_type3A_40, %add3A_148 : vector<2048x64xf32>
    %reduce_sum3A_150 = arith.constant dense<0.000000e+00> : vector<2048xf32>
    %reduce_sum3A_151 = vector.multi_reduction <add>, %mul3A_149, %reduce_sum3A_150 [1] : vector<2048x64xf32> to vector<2048xf32>
    %broadcast_in_dim3A_152 = vector.shape_cast %reduce_sum3A_151 : vector<2048xf32> to vector<2048x1xf32>
    %mul3A_153 = arith.mulf %convert_element_type3A_44, %add3A_148 : vector<2048x64xf32>
    %reduce_sum3A_154 = arith.constant dense<0.000000e+00> : vector<2048xf32>
    %reduce_sum3A_155 = vector.multi_reduction <add>, %mul3A_153, %reduce_sum3A_154 [1] : vector<2048x64xf32> to vector<2048xf32>
    %broadcast_in_dim3A_156 = vector.shape_cast %reduce_sum3A_155 : vector<2048xf32> to vector<2048x1xf32>
    %reshape3A = vector.shape_cast %broadcast_in_dim3A_152 : vector<2048x1xf32> to vector<16x128xf32>
    %reshape3A_157 = vector.shape_cast %broadcast_in_dim3A_156 : vector<2048x1xf32> to vector<16x128xf32>
    %concatenate3A_158 = tpu.concatenate %reshape3A, %reshape3A_157 in 0 : vector<16x128xf32>, vector<16x128xf32> -> vector<32x128xf32>
    %convert_element_type3A_159 = arith.fptosi %concatenate3A_158 : vector<32x128xf32> to vector<32x128xi32>
    %swap3A = arith.constant 0 : index
    %swap3A_160 = arith.constant 0 : index
    %swap3A_161 = vector.load %arg5[%swap3A, %swap3A_160] : memref<32x128xi32, #tpu.memory_space<vmem>>, vector<32x128xi32>
    tpu.vector_store %arg5[%swap3A, %swap3A_160], %convert_element_type3A_159 {strides = array<i32>} : memref<32x128xi32, #tpu.memory_space<vmem>>, vector<32x128xi32>,
    %mul3A_162 = arith.constant 5.000000e-01 : f32
    %mul3A_163 = vector.broadcast %mul3A_162 : f32 to vector<2048x1xf32>
    %mul3A_164 = arith.mulf %broadcast_in_dim3A_17, %mul3A_163 : vector<2048x1xf32>
    %broadcast_in_dim3A_165 = vector.shape_cast %mul3A_164 : vector<2048x1xf32> to vector<2048x1xf32>
    %broadcast_in_dim3A_166 = vector.broadcast %broadcast_in_dim3A_165 : vector<2048x1xf32> to vector<2048x16xf32>
    %swap3A_167 = arith.constant 0 : index
    %swap3A_168 = arith.constant 0 : index
    %swap3A_169 = vector.load %arg6[%swap3A_167, %swap3A_168] : memref<2048x16xf32, #tpu.memory_space<vmem>>, vector<2048x16xf32>
    tpu.vector_store %arg6[%swap3A_167, %swap3A_168], %broadcast_in_dim3A_166 {strides = array<i32>} : memref<2048x16xf32, #tpu.memory_space<vmem>>, vector<2048x16xf32>,
    %mul3A_170 = arith.constant 5.000000e-01 : f32
    %mul3A_171 = vector.broadcast %mul3A_170 : f32 to vector<2048x1xf32>
    %mul3A_172 = arith.mulf %broadcast_in_dim3A_29, %mul3A_171 : vector<2048x1xf32>
    %broadcast_in_dim3A_173 = vector.shape_cast %mul3A_172 : vector<2048x1xf32> to vector<2048x1xf32>
    %broadcast_in_dim3A_174 = vector.broadcast %broadcast_in_dim3A_173 : vector<2048x1xf32> to vector<2048x16xf32>
    %swap3A_175 = arith.constant 0 : index
    %swap3A_176 = arith.constant 0 : index
    %swap3A_177 = vector.load %arg7[%swap3A_175, %swap3A_176] : memref<2048x16xf32, #tpu.memory_space<vmem>>, vector<2048x16xf32>
    tpu.vector_store %arg7[%swap3A_175, %swap3A_176], %broadcast_in_dim3A_174 {strides = array<i32>} : memref<2048x16xf32, #tpu.memory_space<vmem>>, vector<2048x16xf32>,
    %mul3A_178 = arith.constant 5.000000e-01 : f32
    %mul3A_179 = vector.broadcast %mul3A_178 : f32 to vector<2048x1xf32>
    %mul3A_180 = arith.mulf %broadcast_in_dim3A_17, %mul3A_179 : vector<2048x1xf32>
    %mul3A_181 = vector.broadcast %mul3A_180 : vector<2048x1xf32> to vector<2048x64xf32>
    %mul3A_182 = arith.mulf %convert_element_type3A_40, %mul3A_181 : vector<2048x64xf32>
    %mul3A_183 = arith.constant 5.000000e-01 : f32
    %mul3A_184 = vector.broadcast %mul3A_183 : f32 to vector<2048x1xf32>
    %mul3A_185 = arith.mulf %broadcast_in_dim3A_29, %mul3A_184 : vector<2048x1xf32>
    %mul3A_186 = vector.broadcast %mul3A_185 : vector<2048x1xf32> to vector<2048x64xf32>
    %mul3A_187 = arith.mulf %convert_element_type3A_44, %mul3A_186 : vector<2048x64xf32>
    %add3A_188 = arith.addf %mul3A_182, %mul3A_187 : vector<2048x64xf32>
    %get3A_189 = arith.constant 0 : index
    %get3A_190 = arith.constant 0 : index
    %get3A_191 = vector.load %arg4[%get3A_189, %get3A_190] : memref<64x256xf32, #tpu.memory_space<vmem>>, vector<64x256xf32>
    %dot_general3A_192 = arith.constant dense<0.000000e+00> : vector<2048x256xf32>
    %dot_general3A_193 = tpu.matmul %add3A_188, %get3A_191, %dot_general3A_192 {dimension_numbers = #tpu.dot_dimension_numbers<[1], [0], [0], [1], [0, 0, 1, 1], [], []>, transpose_lhs_hint = false} : vector<2048x64xf32>, vector<64x256xf32>, vector<2048x256xf32> -> vector<2048x256xf32>
    %swap3A_194 = arith.constant 0 : index
    %swap3A_195 = arith.constant 0 : index
    %swap3A_196 = vector.load %arg8[%swap3A_194, %swap3A_195] : memref<2048x256xf32, #tpu.memory_space<vmem>>, vector<2048x256xf32>
    tpu.vector_store %arg8[%swap3A_194, %swap3A_195], %dot_general3A_193 {strides = array<i32>} : memref<2048x256xf32, #tpu.memory_space<vmem>>, vector<2048x256xf32>,
    %iota3A_197 = tpu.iota {dimensions = array<i32: 0>} : vector<128x1xi32>
    %convert_element_type3A_198 = arith.sitofp %iota3A_197 : vector<128x1xi32> to vector<128x1xf32>
    %sub3A_199 = arith.constant 1.000000e+00 : f32
    %sub3A_200 = arith.subf %reduce_sum3A_90, %sub3A_199 : f32
    %min3A = vector.broadcast %sub3A_200 : f32 to vector<128x1xf32>
    %min3A_201 = arith.minimumf %convert_element_type3A_198, %min3A : vector<128x1xf32>
    %broadcast_in_dim3A_202 = vector.shape_cast %add3A_81 : vector<1x64xf32> to vector<1x64xf32>
    %broadcast_in_dim3A_203 = vector.broadcast %broadcast_in_dim3A_202 : vector<1x64xf32> to vector<128x64xf32>
    %le3A = vector.broadcast %min3A_201 : vector<128x1xf32> to vector<128x64xf32>
    %le3A_204 = arith.cmpf ole, %broadcast_in_dim3A_203, %le3A : vector<128x64xf32>
    %convert_element_type3A_205 = arith.extui %le3A_204 : vector<128x64xi1> to vector<128x64xi32>
    %convert_element_type3A_206 = arith.sitofp %convert_element_type3A_205 : vector<128x64xi32> to vector<128x64xf32>
    %reduce_sum3A_207 = arith.constant dense<0.000000e+00> : vector<128xf32>
    %reduce_sum3A_208 = vector.multi_reduction <add>, %convert_element_type3A_206, %reduce_sum3A_207 [1] : vector<128x64xf32> to vector<128xf32>
    %broadcast_in_dim3A_209 = vector.shape_cast %reduce_sum3A_208 : vector<128xf32> to vector<128x1xf32>
    %convert_element_type3A_210 = arith.fptosi %broadcast_in_dim3A_209 : vector<128x1xf32> to vector<128x1xi32>
    %swap3A_211 = arith.constant 0 : index
    %swap3A_212 = arith.constant 0 : index
    %swap3A_213 = vector.load %arg9[%swap3A_211, %swap3A_212] : memref<128x1xi32, #tpu.memory_space<vmem>>, vector<128x1xi32>
    tpu.vector_store %arg9[%swap3A_211, %swap3A_212], %convert_element_type3A_210 {strides = array<i32>} : memref<128x1xi32, #tpu.memory_space<vmem>>, vector<128x1xi32>,
    %convert_element_type3A_214 = arith.fptosi %reduce_sum3A_90 : f32 to i32
    %swap3A_215 = arith.constant 0 : index
    %swap3A_216 = arith.constant 0 : index
    %swap3A_217 = memref.load %arg10[%swap3A_215, %swap3A_216] : memref<1x1xi32, #tpu.memory_space<smem>>
    memref.store %convert_element_type3A_214, %arg10[%swap3A_215, %swap3A_216] : memref<1x1xi32, #tpu.memory_space<smem>>
    return
  }
  func.func @transform_0(%arg0: i32) -> (i32, i32) {
    %c0_i32 = arith.constant 0 : i32
    %c0_i32_0 = arith.constant 0 : i32
    %c0_i32_1 = arith.constant 0 : i32
    return %c0_i32, %c0_i32_0 : i32, i32
  }
  func.func @transform_1(%arg0: i32) -> (i32, i32) {
    %c0_i32 = arith.constant 0 : i32
    %c0_i32_0 = arith.constant 0 : i32
    %c0_i32_1 = arith.constant 0 : i32
    return %c0_i32, %c0_i32_0 : i32, i32
  }
  func.func @transform_2(%arg0: i32) -> (i32, i32) {
    %c0_i32 = arith.constant 0 : i32
    %c0_i32_0 = arith.constant 0 : i32
    %c0_i32_1 = arith.constant 0 : i32
    return %c0_i32, %c0_i32_0 : i32, i32
  }
  func.func @transform_3(%arg0: i32) -> (i32, i32) {
    %c0_i32 = arith.constant 0 : i32
    %c0_i32_0 = arith.constant 0 : i32
    %c0_i32_1 = arith.constant 0 : i32
    return %c0_i32, %c0_i32_0 : i32, i32
  }
  func.func @transform_4(%arg0: i32) -> (i32, i32) {
    %c0_i32 = arith.constant 0 : i32
    %c0_i32_0 = arith.constant 0 : i32
    %c0_i32_1 = arith.constant 0 : i32
    return %c0_i32, %c0_i32_0 : i32, i32
  }
  func.func @transform_5(%arg0: i32) -> (i32, i32) {
    %c0_i32 = arith.constant 0 : i32
    %c0_i32_0 = arith.constant 0 : i32
    %c0_i32_1 = arith.constant 0 : i32
    return %c0_i32, %c0_i32_0 : i32, i32
  }
  func.func @transform_6(%arg0: i32) -> (i32, i32) {
    %c0_i32 = arith.constant 0 : i32
    %c0_i32_0 = arith.constant 0 : i32
    %c0_i32_1 = arith.constant 0 : i32
    return %c0_i32, %c0_i32_0 : i32, i32
  }
  func.func @transform_7(%arg0: i32) -> (i32, i32) {
    %c0_i32 = arith.constant 0 : i32
    %c0_i32_0 = arith.constant 0 : i32
    %c0_i32_1 = arith.constant 0 : i32
    return %c0_i32, %c0_i32_0 : i32, i32
  }
  func.func @transform_8(%arg0: i32) -> (i32, i32) {
    %c0_i32 = arith.constant 0 : i32
    %c0_i32_0 = arith.constant 0 : i32
    %c0_i32_1 = arith.constant 0 : i32
    return %c0_i32, %c0_i32_0 : i32, i32
  }
  func.func @transform_9(%arg0: i32) -> (i32, i32) {
    %c0_i32 = arith.constant 0 : i32
    %c0_i32_0 = arith.constant 0 : i32
    %c0_i32_1 = arith.constant 0 : i32
    return %c0_i32, %c0_i32_0 : i32, i32
  }
}

</mosaic_0001>

<sc_bundles>
// kernel: kernel.6.cloned.1.call-start
scs
__scs_entry_jumppad:
0x0: {  	(pc) =	sbr.rel $0x88, $3  }
0x1: {  	(tag) =	ssettag $0x0;
	lr =	simm.s32 $0x1  }
0x2: {  	[smem:$0x3F9C] =	sst lr;
	_ =	strace $0xD0000000  }
0x3: {  	_ = 	snop  }
0x4: {  	_ = 	snop  }
0x5: {  	_ = 	snop  }
0x6: {  	_ = 	snop  }
0x7: {  	_ = 	snop  }
__scs_overlays_trampoline_lowered:
0x8: {  	[smem:$0x3FAB] =	sst s0  }
0x9: {  	[smem:$0x3FAC] =	sst s1  }
0xa: {  	[smem:$0x3FAD] =	sst s2  }
0xb: {  	[smem:$0x3FAE] =	sst s3  }
0xc: {  	[smem:$0x3FAF] =	sst s4  }
0xd: {  	[smem:$0x3FB0] =	sst s5  }
0xe: {  	[smem:$0x3FB1] =	sst s6  }
0xf: {  	[smem:$0x3FB2] =	sst s7  }
0x10: {  	[smem:$0x3FB3] =	sst s8  }
0x11: {  	[smem:$0x3FB4] =	sst s9;
	s0 =	simm.s32 @!p0 $0x0  }
0x12: {  	s1 =	sld [smem:$0x3F9A];
	s0 =	simm.s32 @p0 $0x1  }
0x13: {  	[smem:$0x3FB5] =	sst s0;
	s0 =	simm.s32 @!p1 $0x0  }
0x14: {  	s2 =	sld [smem:$0x3F99];
	s0 =	simm.s32 @p1 $0x1  }
0x15: {  	[smem:$0x3FB6] =	sst s0;
	s0 =	simm.s32 @!p2 $0x0  }
0x16: {  	s3 =	sld [smem:$0x3FDB];
	s0 =	simm.s32 @p2 $0x1  }
0x17: {  	s4 =	simm.s32 $0x1BF5;
	[smem:$0x3FB8] =	sst s0  }
0x18: {  	s0 =	sld [smem:$0x3F9B];
	_ =	swait.ge [sflag:s4], $0x0  }
0x19: {  	s7 =	sld [smem:$0x3F9C]  }
0x1a: {  	s8 =	sadd.s32 $0xFFFFE003, lr  }
0x1b: {  	s9 =	sadd.s32 $0xFFFFFEF7, lr;
	s5 =	simm.s32 $0xFFFFFFFF;
	p2 =	slt.u32 s8, $0xFFFFF086  }
0x1c: {  	p1 =	slt.u32 s9, $0xF7A;
	s5 =	simm.s32 @!p2 $0x0  }
0x1d: {  	s5 =	simm.s32 @p1 $0x1;
	p0 =	seq.s32 s7, s2  }
0x1e: {  	s7 =	smul.u32 @!p0 $0xF7A, s2;
	p2 =	seq.s32 @!p0 s5, $0x0  }
0x1f: {  	s9 =	smul.u32 $0xF7A, s1;
	s8 =	simm.s32 @!p0 $0x1BF5;
	p2 =	por !p2, p0  }
0x20: {  	[sflag:s8] =	ssyncset.s32 @!p0 $0xFFFFF086;
	s6 =	sadd.s32 @!p0 s3, s7;
	s7 =	simm.s32 @!p0 $0x108  }
0x21: {  	s3 =	sadd.s32 s3, s9;
	s6 =	sadd.s32 @!p0 $0x88, s6;
	s7 =	simm.s32 @p2 $0x1082  }
0x22: {  	[simem:s7], [sflag:s8] =	dma.local @!p0 [hbm:s6], $0xF7A  }
0x23: {  	s9 =	sor.u32 $0xD0000000, s2;
	s6 =	simm.s32 $0x108;
	_ =	swait.ge @!p0 [sflag:s8], $0x0  }
0x24: {  	s3 =	sadd.s32 $0x88, s3;
	s6 =	simm.s32 @!p1 $0x1082;
	[sflag:s4] =	ssyncset.s32 $0xFFFFF086  }
0x25: {  	[simem:s6], [sflag:s4] =	dma.local [hbm:s3], $0xF7A  }
0x26: {  	[smem:$0x3F9C] =	sst s1;
	(tag) =	ssettag s2;
	_ =	strace s9  }
0x27: {  	s1 =	sld [smem:$0x3FAC]  }
0x28: {  	s2 =	sld [smem:$0x3FAD]  }
0x29: {  	s4 =	sld [smem:$0x3FAF]  }
0x2a: {  	p0 =	seq.s32 s5, $0x0;
	s5 =	sld [smem:$0x3FB0]  }
0x2b: {  	s6 =	sld [smem:$0x3FB1]  }
0x2c: {  	s7 =	sld [smem:$0x3FB2]  }
0x2d: {  	s3 =	simm.s32 $0x108;
	s8 =	sld [smem:$0x3FB3]  }
0x2e: {  	s3 =	simm.s32 @!p0 $0x1082;
	s9 =	sld [smem:$0x3FB4]  }
0x2f: {  	lr =	sadd.s32 s0, s3;
	s0 =	sld [smem:$0x3FAB]  }
0x30: {  	s3 =	sld [smem:$0x3FAE]  }
0x31: {  	[smem:$0x3FB7] =	sst s10  }
0x32: {  	s10 =	sld [smem:$0x3FB5];
	_ =	sdelay $0x3  }
0x33: {  	p0 =	seq.s32 s10, $0x1;
	s10 =	sld [smem:$0x3FB7];
	_ =	sdelay $0x3  }
0x34: {  	[smem:$0x3FB7] =	sst s10  }
0x35: {  	s10 =	sld [smem:$0x3FB6];
	_ =	sdelay $0x3  }
0x36: {  	p1 =	seq.s32 s10, $0x1;
	s10 =	sld [smem:$0x3FB7];
	_ =	sdelay $0x3  }
0x37: {  	[smem:$0x3FB7] =	sst s10  }
0x38: {  	s10 =	sld [smem:$0x3FB8]  }
0x39: {  	_ = 	snop;
	(pc) =	sbr.ind lr, $3  }
0x3a: {  	_ = 	snop  }
0x3b: {  	_ = 	snop  }
0x3c: {  	p2 =	seq.s32 s10, $0x1;
	s10 =	sld [smem:$0x3FB7]  }
0x3d: {  	_ =	shalt  }
0x3e: {  	_ =	shalt  }
0x3f: {  	_ =	shalt  }
0x40: {  	_ =	shalt  }
0x41: {  	_ =	shalt  }
0x42: {  	_ =	shalt  }
0x43: {  	_ =	shalt  }
0x44: {  	_ =	shalt  }
0x45: {  	_ =	shalt  }
0x46: {  	_ =	shalt  }
0x47: {  	_ =	shalt  }
0x48: {  	_ =	shalt  }
0x49: {  	_ =	shalt  }
0x4a: {  	_ =	shalt  }
0x4b: {  	_ =	shalt  }
0x4c: {  	_ =	shalt  }
0x4d: {  	_ =	shalt  }
0x4e: {  	_ =	shalt  }
0x4f: {  	_ =	shalt  }
0x50: {  	_ =	shalt  }
0x51: {  	_ =	shalt  }
0x52: {  	_ =	shalt  }
0x53: {  	_ =	shalt  }
0x54: {  	_ =	shalt  }
0x55: {  	_ =	shalt  }
0x56: {  	_ =	shalt  }
0x57: {  	_ =	shalt  }
0x58: {  	_ =	shalt  }
0x59: {  	_ =	shalt  }
0x5a: {  	_ =	shalt  }
0x5b: {  	_ =	shalt  }
0x5c: {  	_ =	shalt  }
0x5d: {  	_ =	shalt  }
0x5e: {  	_ =	shalt  }
0x5f: {  	_ =	shalt  }
0x60: {  	_ =	shalt  }
0x61: {  	_ =	shalt  }
0x62: {  	_ =	shalt  }
0x63: {  	_ =	shalt  }
0x64: {  	_ =	shalt  }
0x65: {  	_ =	shalt  }
0x66: {  	_ =	shalt  }
0x67: {  	_ =	shalt  }
0x68: {  	_ =	shalt  }
0x69: {  	_ =	shalt  }
0x6a: {  	_ =	shalt  }
0x6b: {  	_ =	shalt  }
0x6c: {  	_ =	shalt  }
0x6d: {  	_ =	shalt  }
0x6e: {  	_ =	shalt  }
0x6f: {  	_ =	shalt  }
0x70: {  	_ =	shalt  }
0x71: {  	_ =	shalt  }
0x72: {  	_ =	shalt  }
0x73: {  	_ =	shalt  }
0x74: {  	_ =	shalt  }
0x75: {  	_ =	shalt  }
0x76: {  	_ =	shalt  }
0x77: {  	_ =	shalt  }
0x78: {  	_ =	shalt  }
0x79: {  	_ =	shalt  }
0x7a: {  	_ =	shalt  }
0x7b: {  	_ =	shalt  }
0x7c: {  	_ =	shalt  }
0x7d: {  	_ =	shalt  }
0x7e: {  	_ =	shalt  }
0x7f: {  	_ =	shalt  }
0x80: {  	_ =	shalt  }
0x81: {  	_ =	shalt  }
0x82: {  	_ =	shalt  }
0x83: {  	_ =	shalt  }
0x84: {  	_ =	shalt  }
0x85: {  	_ =	shalt  }
0x86: {  	_ =	shalt  }
0x87: {  	_ =	shalt  }
.Lfunc_end0:
.L_simem_size_0:
called_computation_lowered:
.L_overlay_start_0:
0x88: {  	s2 =	sld [smem:$0x3FD9]  }
0x89: {  	s3 =	sld [smem:$0x3FFE];
	_ =	sdelay $0x1  }
0x8a: {  	s1 =	srdreg.scid  }
0x8b: {  	s0 =	sand.u32 $0x1, s1  }
0x8c: {  	s17 =	sshll.u32 s0, $0xA;
	s2 =	sadd.s32 s3, s2  }
0x8d: {  	s2 =	sadd.s32 s2, s17  }
0x8e: {  	[smem:$0x3FC3] =	sst s2  }
0x8f: {  	_ = 	snop  }
0x90: {  	s2 =	sld [smem:$0x3FC9];
	(tm) =	ssettm $0x1  }
0x91: {  	s18 =	sld [smem:$0x3FFB];
	_ =	sdelay $0x3  }
0x92: {  	_ =	strace s18  }
0x93: {  	s3 =	sld [smem:$0x3FFC];
	_ =	sdelay $0x3  }
0x94: {  	_ =	strace s3  }
0x95: {  	s3 =	sld [smem:$0x3FFD];
	_ =	sdelay $0x3  }
0x96: {  	_ =	strace s3  }
0x97: {  	_ =	strace $0x8FFFFFFF  }
0x98: {  	s19 =	sld [smem:$0x3FDB];
	_ =	sdelay $0x1  }
0x99: {  	s4 =	simm.s32 $_scs_section_size  }
0x9a: {  	s5 =	simm.s32 $_size__tile_overlayer_lowered;
	s6 =	simm.s32 $_tile_overlayer_lowered  }
0x9b: {  	s22 =	simm.s32 $0x1BFF;
	s21 =	sshll.u32 s6, $0x1;
	s3 =	sadd.s32 s4, s19  }
0x9c: {  	s7 =	simm.s32 $0x0;
	s20 =	sshll.u32 s5, $0x1;
	s5 =	sadd.s32 s21, s3  }
0x9d: {  	[timem:s7], [sflag:s22] =	dma.local [hbm:s5], s20  }
0x9e: {  	_ =	swait.ge [sflag:s22], s20  }
0x9f: {  	s4 =	ssub.s32 $0x0, s20;
	[sflag:s22] =	ssyncset.done $0x0  }
0xa0: {  	[sflag:s22] =	ssyncadd.s32 s4;
	_ =	sdelay $0x1  }
0xa1: {  	s23 =	simm.s32 $0x1B8B  }
0xa2: {  	_ =	swait.ge [sflag:s23], $0x1  }
0xa3: {  	[sflag:s23] =	ssyncset.done $0x0  }
0xa4: {  	s25 =	simm.s32 $0x1B8E;
	s24 =	sld [smem:$0x3FFE];
	[sflag:s23] =	ssyncadd.s32 $0xFFFFFFFF  }
0xa5: {  	s26 =	simm.s32 $execute0_lowered;
	[smem:$0x3FD2] =	sst s25  }
0xa6: {  	s5 =	sshll.u32 s26, $0x1;
	_ =	strace $0x80000046;
	[dreg:$0x1] =	wrdreg $0xFFFFFFFF  }
0xa7: {  	s28 =	simm.s32 $_size_execute0_lowered;
	s3 =	sadd.s32 s3, s5;
	[dreg:$0x0] =	wrdreg $0x0  }
0xa8: {  	s5 =	sshll.u32 s28, $0x1;
	[dreg:$0x2] =	wrdreg s3  }
0xa9: {  	[dreg:$0x3] =	wrdreg s5  }
0xaa: {  	[dreg:$0x4] =	wrdreg $0xC0  }
0xab: {  	_ =	task [dreg:s7], $0x5FFFF  }
0xac: {  	[dreg:$0x1] =	wrdreg $0xFFFFFFFF  }
0xad: {  	[dreg:$0x0] =	wrdreg $0x60  }
0xae: {  	[dreg:$0x2] =	wrdreg s2  }
0xaf: {  	[dreg:$0x3] =	wrdreg s24  }
0xb0: {  	[dreg:$0x4] =	wrdreg $0x9  }
0xb1: {  	_ =	task.clear_ibuf [dreg:s7], $0x5FFFF;
	_ =	strace $0x90000046  }
0xb2: {  	s29 =	simm.s32 $0x9;
	_ =	strace $0x80000048  }
0xb3: {  	_ =	swait.ge [sflag:s29], $0x1  }
0xb4: {  	[sflag:s29] =	ssyncadd.s32 $0xFFFFFFFF  }
0xb5: {  	_ =	strace $0x90000048  }
0xb6: {  	_ =	sfence  }
0xb7: {  	s30 =	sld [smem:$0x0];
	_ =	sdelay $0x2  }
0xb8: {  	s31 =	sshll.u32 s1, $0xD;
	s1 =	sshrl.u32 s1, $0x2  }
0xb9: {  	s3 =	sand.u32 $0x4000, s31;
	s1 =	sadd.s32 s1, s30  }
0xba: {  	s0 =	sor.u32 s3, s0;
	s1 =	sshll.u32 s1, $0x11  }
0xbb: {  	s0 =	sor.u32 s1, s0  }
0xbc: {  	s0 =	sadd.s32 $0x8F2B, s0  }
0xbd: {  	[sflag:s0] =	ssyncadd.remote.s32 $0x1  }
0xbe: {  	_ =	sfence.sel $0xFFFF  }
0xbf: {  	[dreg:$0x0] =	wrdreg $0xFFFFFFFF;
	(pc) =	sbr.abs _section_cstart, $3  }
0xc0: {  	[dreg:$0x1] =	wrdreg $0xFFFFFFFF  }
0xc1: {  	_ =	task.clear_ibuf [dreg:s7], $0x2FFFF;
	_ =	strace $0x9FFFFFFF  }
0xc2: {  	(tm) =	ssettm $0x7FFFFFFF  }
0xc3: {  	_ =	shalt  }
tec
execute0_lowered:
.L_overlay_start_1:
0x0: {  	(tag) =	ssettag $0x1  }
0x1: {  	s1 =	srdreg.scid  }
0x2: {  	s0 =	stileid.u32;
	s1 =	sand.u32 $0x1, s1  }
0x3: {  	s3 =	rddreg [dreg:$0x0];
	s2 =	sshll.u32 s0, $0x5;
	s4 =	sshll.u32 s1, $0x4  }
0x4: {  	s5 =	rddreg [dreg:$0x1];
	s4 =	sor.u32 s4, s2;
	s2 =	simm.s32 $0x0  }
0x5: {  	s25 =	simm.s32 $0x880;
	[smem:$0x7FF] =	sst s2  }
0x6: {  	s26 =	simm.s32 $0x1080;
	_ =	strace $0x80000047;
	[dreg:$0x5] =	wrdreg s25  }
0x7: {  	s0 =	simm.s32 $0x1880;
	[dreg:$0x6] =	wrdreg s26  }
0x8: {  	s7 =	simm.s32 $0x3080;
	[dreg:$0x7] =	wrdreg s0  }
0x9: {  	s8 =	simm.s32 $0x3880;
	[dreg:$0xa] =	wrdreg s7  }
0xa: {  	s9 =	simm.s32 $0x4080;
	[dreg:$0xb] =	wrdreg s8  }
0xb: {  	s10 =	simm.s32 $0x4880;
	[dreg:$0xc] =	wrdreg s9  }
0xc: {  	s11 =	simm.s32 $0x5080;
	s12 =	simm.s32 $0x5880;
	[dreg:$0xd] =	wrdreg s10  }
0xd: {  	s13 =	simm.s32 $0x6080;
	s14 =	simm.s32 $0x6880;
	[dreg:$0xe] =	wrdreg s11  }
0xe: {  	s15 =	simm.s32 $0x7080;
	s16 =	simm.s32 $0x7880;
	[dreg:$0xf] =	wrdreg s12  }
0xf: {  	s17 =	simm.s32 $0x8080;
	s18 =	simm.s32 $0x8880;
	[dreg:$0x10] =	wrdreg s13  }
0x10: {  	s19 =	simm.s32 $0x9080;
	s21 =	simm.s32 $0x9880;
	[dreg:$0x11] =	wrdreg s14  }
0x11: {  	s22 =	simm.s32 $0xA080;
	s23 =	simm.s32 $0xA880;
	[dreg:$0x12] =	wrdreg s15  }
0x12: {  	s24 =	simm.s32 $0xB880;
	s28 =	simm.s32 $0x16080;
	[dreg:$0x13] =	wrdreg s16  }
0x13: {  	s29 =	simm.s32 $0x16880;
	s30 =	simm.s32 $0x17080;
	[dreg:$0x14] =	wrdreg s17  }
0x14: {  	s31 =	simm.s32 $0x17880;
	s1 =	ssub.s32 $0x2, s1;
	[dreg:$0x15] =	wrdreg s18  }
0x15: {  	s20 =	sshrl.u32 s1, $0x1;
	s6 =	sand.u32 $0xF0, s4;
	[dreg:$0x16] =	wrdreg s19  }
0x16: {  	s4 =	sadd.s32 s4, s5;
	s1 =	ssub.s32 s1, s20;
	[dreg:$0x17] =	wrdreg s21  }
0x17: {  	s20 =	simm.s32 $0x12880;
	s6 =	smul.u32 $0x300, s6;
	[dreg:$0x18] =	wrdreg s22  }
0x18: {  	s4 =	sadd.s32 $0x1A00, s4;
	[dreg:$0x19] =	wrdreg s23;
	s7 =	simm.s32 $0xB080  }
0x19: {  	[dreg:$0x1b] =	wrdreg s24;
	s25 =	simm.s32 $0xC080;
	s8 =	simm.s32 $0x80  }
0x1a: {  	s26 =	simm.s32 $0xC880;
	s10 =	simm.s32 $0xD880;
	s11 =	simm.s32 $0xE080  }
0x1b: {  	s12 =	simm.s32 $0xE880;
	s13 =	simm.s32 $0xF080;
	s14 =	simm.s32 $0xF880  }
0x1c: {  	s15 =	simm.s32 $0x10080;
	s16 =	simm.s32 $0x10880;
	s17 =	simm.s32 $0x11080  }
0x1d: {  	s18 =	simm.s32 $0x11880;
	s19 =	simm.s32 $0x12080;
	[dreg:$0x3] =	wrdreg s4  }
0x1e: {  	s21 =	simm.s32 $0x13080;
	s22 =	simm.s32 $0x13880;
	[dreg:$0x1a] =	wrdreg s7  }
0x1f: {  	s23 =	simm.s32 $0x14080;
	s24 =	simm.s32 $0x14880;
	[dreg:$0x1c] =	wrdreg s25  }
0x20: {  	s4 =	simm.s32 $0x2080;
	s7 =	simm.s32 $0x2;
	[dreg:$0x1d] =	wrdreg s26  }
0x21: {  	s25 =	simm.s32 $0x15080;
	s3 =	sadd.s32 s3, s6;
	[dreg:$0x8] =	wrdreg s4  }
0x22: {  	v2 =	vlaneseq.u32;
	s26 =	simm.s32 $0x15880;
	s6 =	simm.s32 $0x2880;
	[dreg:$0x4] =	wrdreg s3  }
0x23: {  	vm0 =	vmmov $0xffff;
	v1 =	vshrl.u32 v2, $0x3;
	s4 =	sadd.s32 $0x21D00, s5;
	[dreg:$0x9] =	wrdreg s6;
	s3 =	sadd.s32 $0x21C00, s5  }
0x24: {  	v0 =	vand.u32 $0x7, v2;
	v2 =	vor.u32 $0x8, v2;
	v1 =	vmul.u32 $0x8, v1;
	s5 =	sadd.s32 $0x21E00, s5;
	s6 =	smax.u32 s1, $0x1;
	s1 =	simm.s32 $0x1  }
.LBB2_1:
0x25: {  	s0 =	rddreg [dreg:$0x3]  }
0x26: {  	[tilespmem:s2], [sflag:$0x2] =	stream.linear.gather [hbm4b:s0+s2], $0x80, $0x38;
	[tilespmem:$0x18080] =	vst v63  }
0x27: {  	_ =	swait.ge [sflag:s7], $0x80  }
0x28: {  	[sflag:s7] =	ssyncset.done $0x0  }
0x29: {  	s9 =	rddreg [dreg:$0x4];
	[sflag:s7] =	ssyncadd.s32 $0xFFFFFF80  }
0x2a: {  	[tilespmem:s8], [sflag:$0x2] =	stream.linear.gather [hbm4b:s9+s2], $0x18000, $0x38;
	[tilespmem:$0x18080] =	vst v63  }
0x2b: {  	_ =	swait.ge [sflag:s7], $0x18000  }
0x2c: {  	[sflag:s7] =	ssyncset.done $0x0  }
0x2d: {  	[sflag:s7] =	ssyncadd.s32 $0xFFFE8000  }
0x2e: {  	v3 =	vld [tilespmem:$0x0];
	_ =	sdelay $0x4  }
0x2f: {  	v4 =	vshrl.u32 v3, $0x3  }
0x30: {  	v4 =	vmul.u32 $0x30, v4  }
0x31: {  	v3 =	vand.u32 $0x7, v3  }
0x32: {  	v3 =	vor.u32 v3, v4  }
0x33: {  	v4 =	vperm.xlane v3, v0;
	_ =	sdelay $0x1  }
0x34: {  	v4 =	vadd.s32 v1, v4;
	_ =	sdelay $0x3  }
0x35: {  	v3 =	vperm.xlane v3, v2  }
0x36: {  	[hbm4b:s3+s2] =	stream.indirect_vreg.scatter [tilespmem:s8], [sflag:$0x1], $0x80, v4, vm0, $0xb8;
	[tilespmem:$0x18080] =	vst v63  }
0x37: {  	s0 =	rddreg [dreg:$0x5];
	v3 =	vadd.s32 v1, v3  }
0x38: {  	[hbm4b:s4+s2] =	stream.indirect_vreg.scatter [tilespmem:s0], [sflag:$0x1], $0x80, v4, vm0, $0xb8;
	[tilespmem:$0x18080] =	vst v63  }
0x39: {  	s9 =	rddreg [dreg:$0x6]  }
0x3a: {  	[hbm4b:s5+s2] =	stream.indirect_vreg.scatter [tilespmem:s9], [sflag:$0x1], $0x80, v4, vm0, $0xb8;
	[tilespmem:$0x18080] =	vst v63  }
0x3b: {  	s0 =	rddreg [dreg:$0x7]  }
0x3c: {  	[hbm4b:s3+s2] =	stream.indirect_vreg.scatter [tilespmem:s0], [sflag:$0x1], $0x80, v3, vm0, $0xb8;
	[tilespmem:$0x18080] =	vst v63  }
0x3d: {  	s9 =	rddreg [dreg:$0x8]  }
0x3e: {  	[hbm4b:s4+s2] =	stream.indirect_vreg.scatter [tilespmem:s9], [sflag:$0x1], $0x80, v3, vm0, $0xb8;
	[tilespmem:$0x18080] =	vst v63  }
0x3f: {  	s0 =	rddreg [dreg:$0x9]  }
0x40: {  	[hbm4b:s5+s2] =	stream.indirect_vreg.scatter [tilespmem:s0], [sflag:$0x1], $0x80, v3, vm0, $0xb8;
	[tilespmem:$0x18080] =	vst v63  }
0x41: {  	v3 =	vld [tilespmem:$0x10];
	_ =	sdelay $0x4  }
0x42: {  	v57 =	vshrl.u32 v3, $0x3  }
0x43: {  	v4 =	vmul.u32 $0x30, v57  }
0x44: {  	v3 =	vand.u32 $0x7, v3  }
0x45: {  	v3 =	vor.u32 v3, v4  }
0x46: {  	v4 =	vperm.xlane v3, v0;
	_ =	sdelay $0x1  }
0x47: {  	v4 =	vadd.s32 v1, v4;
	_ =	sdelay $0x3  }
0x48: {  	s0 =	rddreg [dreg:$0xa];
	v3 =	vperm.xlane v3, v2  }
0x49: {  	[hbm4b:s3+s2] =	stream.indirect_vreg.scatter [tilespmem:s0], [sflag:$0x1], $0x80, v4, vm0, $0xb8;
	[tilespmem:$0x18080] =	vst v63  }
0x4a: {  	s9 =	rddreg [dreg:$0xb];
	v3 =	vadd.s32 v1, v3  }
0x4b: {  	[hbm4b:s4+s2] =	stream.indirect_vreg.scatter [tilespmem:s9], [sflag:$0x1], $0x80, v4, vm0, $0xb8;
	[tilespmem:$0x18080] =	vst v63  }
0x4c: {  	s0 =	rddreg [dreg:$0xc]  }
0x4d: {  	[hbm4b:s5+s2] =	stream.indirect_vreg.scatter [tilespmem:s0], [sflag:$0x1], $0x80, v4, vm0, $0xb8;
	[tilespmem:$0x18080] =	vst v63  }
0x4e: {  	s9 =	rddreg [dreg:$0xd]  }
0x4f: {  	[hbm4b:s3+s2] =	stream.indirect_vreg.scatter [tilespmem:s9], [sflag:$0x1], $0x80, v3, vm0, $0xb8;
	[tilespmem:$0x18080] =	vst v63  }
0x50: {  	s0 =	rddreg [dreg:$0xe]  }
0x51: {  	[hbm4b:s4+s2] =	stream.indirect_vreg.scatter [tilespmem:s0], [sflag:$0x1], $0x80, v3, vm0, $0xb8;
	[tilespmem:$0x18080] =	vst v63  }
0x52: {  	s9 =	rddreg [dreg:$0xf]  }
0x53: {  	[hbm4b:s5+s2] =	stream.indirect_vreg.scatter [tilespmem:s9], [sflag:$0x1], $0x80, v3, vm0, $0xb8;
	[tilespmem:$0x18080] =	vst v63  }
0x54: {  	v3 =	vld [tilespmem:$0x20];
	_ =	sdelay $0x4  }
0x55: {  	v58 =	vshrl.u32 v3, $0x3  }
0x56: {  	v4 =	vmul.u32 $0x30, v58  }
0x57: {  	v3 =	vand.u32 $0x7, v3  }
0x58: {  	v3 =	vor.u32 v3, v4  }
0x59: {  	v4 =	vperm.xlane v3, v0;
	_ =	sdelay $0x1  }
0x5a: {  	v4 =	vadd.s32 v1, v4;
	_ =	sdelay $0x3  }
0x5b: {  	s0 =	rddreg [dreg:$0x10];
	v3 =	vperm.xlane v3, v2  }
0x5c: {  	[hbm4b:s3+s2] =	stream.indirect_vreg.scatter [tilespmem:s0], [sflag:$0x1], $0x80, v4, vm0, $0xb8;
	[tilespmem:$0x18080] =	vst v63  }
0x5d: {  	s9 =	rddreg [dreg:$0x11];
	v3 =	vadd.s32 v1, v3  }
0x5e: {  	[hbm4b:s4+s2] =	stream.indirect_vreg.scatter [tilespmem:s9], [sflag:$0x1], $0x80, v4, vm0, $0xb8;
	[tilespmem:$0x18080] =	vst v63  }
0x5f: {  	s0 =	rddreg [dreg:$0x12]  }
0x60: {  	[hbm4b:s5+s2] =	stream.indirect_vreg.scatter [tilespmem:s0], [sflag:$0x1], $0x80, v4, vm0, $0xb8;
	[tilespmem:$0x18080] =	vst v63  }
0x61: {  	s9 =	rddreg [dreg:$0x13]  }
0x62: {  	[hbm4b:s3+s2] =	stream.indirect_vreg.scatter [tilespmem:s9], [sflag:$0x1], $0x80, v3, vm0, $0xb8;
	[tilespmem:$0x18080] =	vst v63  }
0x63: {  	s0 =	rddreg [dreg:$0x14]  }
0x64: {  	[hbm4b:s4+s2] =	stream.indirect_vreg.scatter [tilespmem:s0], [sflag:$0x1], $0x80, v3, vm0, $0xb8;
	[tilespmem:$0x18080] =	vst v63  }
0x65: {  	s9 =	rddreg [dreg:$0x15]  }
0x66: {  	[hbm4b:s5+s2] =	stream.indirect_vreg.scatter [tilespmem:s9], [sflag:$0x1], $0x80, v3, vm0, $0xb8;
	[tilespmem:$0x18080] =	vst v63  }
0x67: {  	v3 =	vld [tilespmem:$0x30];
	_ =	sdelay $0x4  }
0x68: {  	v59 =	vshrl.u32 v3, $0x3  }
0x69: {  	v4 =	vmul.u32 $0x30, v59  }
0x6a: {  	v3 =	vand.u32 $0x7, v3  }
0x6b: {  	v3 =	vor.u32 v3, v4  }
0x6c: {  	v4 =	vperm.xlane v3, v0;
	_ =	sdelay $0x1  }
0x6d: {  	v4 =	vadd.s32 v1, v4;
	_ =	sdelay $0x3  }
0x6e: {  	s0 =	rddreg [dreg:$0x16];
	v3 =	vperm.xlane v3, v2  }
0x6f: {  	[hbm4b:s3+s2] =	stream.indirect_vreg.scatter [tilespmem:s0], [sflag:$0x1], $0x80, v4, vm0, $0xb8;
	[tilespmem:$0x18080] =	vst v63  }
0x70: {  	s9 =	rddreg [dreg:$0x17];
	v3 =	vadd.s32 v1, v3  }
0x71: {  	[hbm4b:s4+s2] =	stream.indirect_vreg.scatter [tilespmem:s9], [sflag:$0x1], $0x80, v4, vm0, $0xb8;
	[tilespmem:$0x18080] =	vst v63  }
0x72: {  	s0 =	rddreg [dreg:$0x18]  }
0x73: {  	[hbm4b:s5+s2] =	stream.indirect_vreg.scatter [tilespmem:s0], [sflag:$0x1], $0x80, v4, vm0, $0xb8;
	[tilespmem:$0x18080] =	vst v63  }
0x74: {  	s9 =	rddreg [dreg:$0x19]  }
0x75: {  	[hbm4b:s3+s2] =	stream.indirect_vreg.scatter [tilespmem:s9], [sflag:$0x1], $0x80, v3, vm0, $0xb8;
	[tilespmem:$0x18080] =	vst v63  }
0x76: {  	s0 =	rddreg [dreg:$0x1a]  }
0x77: {  	[hbm4b:s4+s2] =	stream.indirect_vreg.scatter [tilespmem:s0], [sflag:$0x1], $0x80, v3, vm0, $0xb8;
	[tilespmem:$0x18080] =	vst v63  }
0x78: {  	s9 =	rddreg [dreg:$0x1b]  }
0x79: {  	[hbm4b:s5+s2] =	stream.indirect_vreg.scatter [tilespmem:s9], [sflag:$0x1], $0x80, v3, vm0, $0xb8;
	[tilespmem:$0x18080] =	vst v63  }
0x7a: {  	v3 =	vld [tilespmem:$0x40];
	_ =	sdelay $0x4  }
0x7b: {  	v60 =	vshrl.u32 v3, $0x3  }
0x7c: {  	v4 =	vmul.u32 $0x30, v60  }
0x7d: {  	v3 =	vand.u32 $0x7, v3  }
0x7e: {  	v3 =	vor.u32 v3, v4  }
0x7f: {  	v4 =	vperm.xlane v3, v0;
	_ =	sdelay $0x1  }
0x80: {  	v4 =	vadd.s32 v1, v4;
	_ =	sdelay $0x3  }
0x81: {  	s0 =	rddreg [dreg:$0x1c];
	v3 =	vperm.xlane v3, v2  }
0x82: {  	[hbm4b:s3+s2] =	stream.indirect_vreg.scatter [tilespmem:s0], [sflag:$0x1], $0x80, v4, vm0, $0xb8;
	[tilespmem:$0x18080] =	vst v63  }
0x83: {  	s9 =	rddreg [dreg:$0x1d];
	v3 =	vadd.s32 v1, v3  }
0x84: {  	[hbm4b:s4+s2] =	stream.indirect_vreg.scatter [tilespmem:s9], [sflag:$0x1], $0x80, v4, vm0, $0xb8;
	[tilespmem:$0x18080] =	vst v63  }
0x85: {  	s9 =	simm.s32 $0xD080  }
0x86: {  	[hbm4b:s5+s2] =	stream.indirect_vreg.scatter [tilespmem:s9], [sflag:$0x1], $0x80, v4, vm0, $0xb8;
	[tilespmem:$0x18080] =	vst v63  }
0x87: {  	_ = 	snop  }
0x88: {  	[hbm4b:s3+s2] =	stream.indirect_vreg.scatter [tilespmem:s10], [sflag:$0x1], $0x80, v3, vm0, $0xb8;
	[tilespmem:$0x18080] =	vst v63  }
0x89: {  	_ = 	snop  }
0x8a: {  	[hbm4b:s4+s2] =	stream.indirect_vreg.scatter [tilespmem:s11], [sflag:$0x1], $0x80, v3, vm0, $0xb8;
	[tilespmem:$0x18080] =	vst v63  }
0x8b: {  	_ = 	snop  }
0x8c: {  	[hbm4b:s5+s2] =	stream.indirect_vreg.scatter [tilespmem:s12], [sflag:$0x1], $0x80, v3, vm0, $0xb8;
	[tilespmem:$0x18080] =	vst v63  }
0x8d: {  	v3 =	vld [tilespmem:$0x50];
	_ =	sdelay $0x4  }
0x8e: {  	v61 =	vshrl.u32 v3, $0x3  }
0x8f: {  	v4 =	vmul.u32 $0x30, v61  }
0x90: {  	v3 =	vand.u32 $0x7, v3  }
0x91: {  	v3 =	vor.u32 v3, v4  }
0x92: {  	v4 =	vperm.xlane v3, v0;
	_ =	sdelay $0x1  }
0x93: {  	v4 =	vadd.s32 v1, v4;
	_ =	sdelay $0x3  }
0x94: {  	v3 =	vperm.xlane v3, v2  }
0x95: {  	[hbm4b:s3+s2] =	stream.indirect_vreg.scatter [tilespmem:s13], [sflag:$0x1], $0x80, v4, vm0, $0xb8;
	[tilespmem:$0x18080] =	vst v63  }
0x96: {  	v3 =	vadd.s32 v1, v3  }
0x97: {  	[hbm4b:s4+s2] =	stream.indirect_vreg.scatter [tilespmem:s14], [sflag:$0x1], $0x80, v4, vm0, $0xb8;
	[tilespmem:$0x18080] =	vst v63  }
0x98: {  	_ = 	snop  }
0x99: {  	[hbm4b:s5+s2] =	stream.indirect_vreg.scatter [tilespmem:s15], [sflag:$0x1], $0x80, v4, vm0, $0xb8;
	[tilespmem:$0x18080] =	vst v63  }
0x9a: {  	_ = 	snop  }
0x9b: {  	[hbm4b:s3+s2] =	stream.indirect_vreg.scatter [tilespmem:s16], [sflag:$0x1], $0x80, v3, vm0, $0xb8;
	[tilespmem:$0x18080] =	vst v63  }
0x9c: {  	_ = 	snop  }
0x9d: {  	[hbm4b:s4+s2] =	stream.indirect_vreg.scatter [tilespmem:s17], [sflag:$0x1], $0x80, v3, vm0, $0xb8;
	[tilespmem:$0x18080] =	vst v63  }
0x9e: {  	_ = 	snop  }
0x9f: {  	[hbm4b:s5+s2] =	stream.indirect_vreg.scatter [tilespmem:s18], [sflag:$0x1], $0x80, v3, vm0, $0xb8;
	[tilespmem:$0x18080] =	vst v63  }
0xa0: {  	v3 =	vld [tilespmem:$0x60];
	_ =	sdelay $0x4  }
0xa1: {  	v62 =	vshrl.u32 v3, $0x3  }
0xa2: {  	v4 =	vmul.u32 $0x30, v62  }
0xa3: {  	v3 =	vand.u32 $0x7, v3  }
0xa4: {  	v3 =	vor.u32 v3, v4  }
0xa5: {  	v4 =	vperm.xlane v3, v0;
	_ =	sdelay $0x1  }
0xa6: {  	v4 =	vadd.s32 v1, v4;
	_ =	sdelay $0x3  }
0xa7: {  	v3 =	vperm.xlane v3, v2  }
0xa8: {  	[hbm4b:s3+s2] =	stream.indirect_vreg.scatter [tilespmem:s19], [sflag:$0x1], $0x80, v4, vm0, $0xb8;
	[tilespmem:$0x18080] =	vst v63  }
0xa9: {  	v3 =	vadd.s32 v1, v3  }
0xaa: {  	[hbm4b:s4+s2] =	stream.indirect_vreg.scatter [tilespmem:s20], [sflag:$0x1], $0x80, v4, vm0, $0xb8;
	[tilespmem:$0x18080] =	vst v63  }
0xab: {  	_ = 	snop  }
0xac: {  	[hbm4b:s5+s2] =	stream.indirect_vreg.scatter [tilespmem:s21], [sflag:$0x1], $0x80, v4, vm0, $0xb8;
	[tilespmem:$0x18080] =	vst v63  }
0xad: {  	_ = 	snop  }
0xae: {  	[hbm4b:s3+s2] =	stream.indirect_vreg.scatter [tilespmem:s22], [sflag:$0x1], $0x80, v3, vm0, $0xb8;
	[tilespmem:$0x18080] =	vst v63  }
0xaf: {  	_ = 	snop  }
0xb0: {  	[hbm4b:s4+s2] =	stream.indirect_vreg.scatter [tilespmem:s23], [sflag:$0x1], $0x80, v3, vm0, $0xb8;
	[tilespmem:$0x18080] =	vst v63  }
0xb1: {  	_ = 	snop  }
0xb2: {  	[hbm4b:s5+s2] =	stream.indirect_vreg.scatter [tilespmem:s24], [sflag:$0x1], $0x80, v3, vm0, $0xb8;
	[tilespmem:$0x18080] =	vst v63  }
0xb3: {  	v3 =	vld [tilespmem:$0x70];
	_ =	sdelay $0x4  }
0xb4: {  	v63 =	vshrl.u32 v3, $0x3  }
0xb5: {  	v4 =	vmul.u32 $0x30, v63  }
0xb6: {  	v3 =	vand.u32 $0x7, v3  }
0xb7: {  	v3 =	vor.u32 v3, v4  }
0xb8: {  	v4 =	vperm.xlane v3, v0;
	_ =	sdelay $0x1  }
0xb9: {  	v4 =	vadd.s32 v1, v4;
	_ =	sdelay $0x3  }
0xba: {  	v3 =	vperm.xlane v3, v2  }
0xbb: {  	[hbm4b:s3+s2] =	stream.indirect_vreg.scatter [tilespmem:s25], [sflag:$0x1], $0x80, v4, vm0, $0xb8;
	[tilespmem:$0x18080] =	vst v63  }
0xbc: {  	v3 =	vadd.s32 v1, v3  }
0xbd: {  	[hbm4b:s4+s2] =	stream.indirect_vreg.scatter [tilespmem:s26], [sflag:$0x1], $0x80, v4, vm0, $0xb8;
	[tilespmem:$0x18080] =	vst v63  }
0xbe: {  	_ = 	snop  }
0xbf: {  	[hbm4b:s5+s2] =	stream.indirect_vreg.scatter [tilespmem:s28], [sflag:$0x1], $0x80, v4, vm0, $0xb8;
	[tilespmem:$0x18080] =	vst v63  }
0xc0: {  	_ = 	snop  }
0xc1: {  	[hbm4b:s3+s2] =	stream.indirect_vreg.scatter [tilespmem:s29], [sflag:$0x1], $0x80, v3, vm0, $0xb8;
	[tilespmem:$0x18080] =	vst v63  }
0xc2: {  	p0 =	sne.s32 s6, $0x1  }
0xc3: {  	[hbm4b:s4+s2] =	stream.indirect_vreg.scatter [tilespmem:s30], [sflag:$0x1], $0x80, v3, vm0, $0xb8;
	[tilespmem:$0x18080] =	vst v63  }
.Ltmp0:
0xc4: {  	_ = 	snop;
	(pc) =	sbr.rel @p0 .LBB2_1-.Ltmp0, $4  }
0xc5: {  	[hbm4b:s5+s2] =	stream.indirect_vreg.scatter [tilespmem:s31], [sflag:$0x1], $0x80, v3, vm0, $0xb8;
	[tilespmem:$0x18080] =	vst v63  }
0xc6: {  	_ =	swait.ge [sflag:s1], $0x18000  }
0xc7: {  	[sflag:s1] =	ssyncset.done $0x0  }
0xc8: {  	s6 =	sadd.s32 $0xFFFFFFFF, s6;
	[sflag:s1] =	ssyncadd.s32 $0xFFFE8000  }
0xc9: {  	_ =	sfence.sel $0x180000  }
0xca: {  	[bflag:$0x0] =	sbarrier.arrive $0xFFFF  }
0xcb: {  	_ =	strace $0x90000047  }
0xcc: {  	s0 =	stileid.u32;
	[bflag:$0x2] =	sbarrier.arrive $0xFFFF  }
0xcd: {  	p0 =	sne.s32 s0, $0x0;
	s0 =	rddreg [dreg:$0x2]  }
0xce: {  	s0 =	sadd.s32 @!p0 $0x100000, s0  }
0xcf: {  	[sflag:s0] =	ssyncadd.tile.s32 @!p0 $0x1;
	_ =	shalt  }
.Lfunc_end2:
_tile_overlayer_lowered:
.L_overlay_start_2:
0xd0: {  	(tag) =	ssettag $0x2  }
0xd1: {  	s0 =	rddreg [dreg:$0x0];
	s2 =	stileid.u32  }
0xd2: {  	s1 =	rddreg [dreg:$0x1];
	p0 =	sne.s32 s2, $0x0  }
0xd3: {  	s3 =	rddreg [dreg:$0x2];
	[bflag:$0x3] =	sbarrier.arrive $0xFFFF;
	s2 =	simm.s32 @!p0 $0x1C02  }
0xd4: {  	[timem:s3], [sflag:s2] =	dma.local @!p0 [hbm:s0], s1  }
0xd5: {  	s0 =	simm.s32 @!p0 $0x2  }
0xd6: {  	_ =	swait.ge @!p0 [sflag:s0], s1  }
0xd7: {  	s1 =	ssub.s32 @!p0 $0x0, s1;
	[sflag:s0] =	ssyncset.done @!p0 $0x0  }
0xd8: {  	[sflag:s0] =	ssyncadd.s32 @!p0 s1  }
0xd9: {  	[bflag:$0x3] =	sbarrier.arrive $0xFFFF  }
0xda: {  	_ =	shalt  }

// kernel: kernel.9.cloned.1.call-start
scs
__scs_entry_jumppad:
0x0: {  	(pc) =	sbr.rel $0x88, $3  }
0x1: {  	(tag) =	ssettag $0x0;
	lr =	simm.s32 $0x1  }
0x2: {  	[smem:$0x3F9C] =	sst lr;
	_ =	strace $0xD0000000  }
0x3: {  	_ = 	snop  }
0x4: {  	_ = 	snop  }
0x5: {  	_ = 	snop  }
0x6: {  	_ = 	snop  }
0x7: {  	_ = 	snop  }
__scs_overlays_trampoline_lowered:
0x8: {  	[smem:$0x3FAB] =	sst s0  }
0x9: {  	[smem:$0x3FAC] =	sst s1  }
0xa: {  	[smem:$0x3FAD] =	sst s2  }
0xb: {  	[smem:$0x3FAE] =	sst s3  }
0xc: {  	[smem:$0x3FAF] =	sst s4  }
0xd: {  	[smem:$0x3FB0] =	sst s5  }
0xe: {  	[smem:$0x3FB1] =	sst s6  }
0xf: {  	[smem:$0x3FB2] =	sst s7  }
0x10: {  	[smem:$0x3FB3] =	sst s8  }
0x11: {  	[smem:$0x3FB4] =	sst s9;
	s0 =	simm.s32 @!p0 $0x0  }
0x12: {  	s1 =	sld [smem:$0x3F9A];
	s0 =	simm.s32 @p0 $0x1  }
0x13: {  	[smem:$0x3FB5] =	sst s0;
	s0 =	simm.s32 @!p1 $0x0  }
0x14: {  	s2 =	sld [smem:$0x3F99];
	s0 =	simm.s32 @p1 $0x1  }
0x15: {  	[smem:$0x3FB6] =	sst s0;
	s0 =	simm.s32 @!p2 $0x0  }
0x16: {  	s3 =	sld [smem:$0x3FDB];
	s0 =	simm.s32 @p2 $0x1  }
0x17: {  	s4 =	simm.s32 $0x1BF5;
	[smem:$0x3FB8] =	sst s0  }
0x18: {  	s0 =	sld [smem:$0x3F9B];
	_ =	swait.ge [sflag:s4], $0x0  }
0x19: {  	s7 =	sld [smem:$0x3F9C]  }
0x1a: {  	s8 =	sadd.s32 $0xFFFFE003, lr  }
0x1b: {  	s9 =	sadd.s32 $0xFFFFFEF7, lr;
	s5 =	simm.s32 $0xFFFFFFFF;
	p2 =	slt.u32 s8, $0xFFFFF086  }
0x1c: {  	p1 =	slt.u32 s9, $0xF7A;
	s5 =	simm.s32 @!p2 $0x0  }
0x1d: {  	s5 =	simm.s32 @p1 $0x1;
	p0 =	seq.s32 s7, s2  }
0x1e: {  	s7 =	smul.u32 @!p0 $0xF7A, s2;
	p2 =	seq.s32 @!p0 s5, $0x0  }
0x1f: {  	s9 =	smul.u32 $0xF7A, s1;
	s8 =	simm.s32 @!p0 $0x1BF5;
	p2 =	por !p2, p0  }
0x20: {  	[sflag:s8] =	ssyncset.s32 @!p0 $0xFFFFF086;
	s6 =	sadd.s32 @!p0 s3, s7;
	s7 =	simm.s32 @!p0 $0x108  }
0x21: {  	s3 =	sadd.s32 s3, s9;
	s6 =	sadd.s32 @!p0 $0x88, s6;
	s7 =	simm.s32 @p2 $0x1082  }
0x22: {  	[simem:s7], [sflag:s8] =	dma.local @!p0 [hbm:s6], $0xF7A  }
0x23: {  	s9 =	sor.u32 $0xD0000000, s2;
	s6 =	simm.s32 $0x108;
	_ =	swait.ge @!p0 [sflag:s8], $0x0  }
0x24: {  	s3 =	sadd.s32 $0x88, s3;
	s6 =	simm.s32 @!p1 $0x1082;
	[sflag:s4] =	ssyncset.s32 $0xFFFFF086  }
0x25: {  	[simem:s6], [sflag:s4] =	dma.local [hbm:s3], $0xF7A  }
0x26: {  	[smem:$0x3F9C] =	sst s1;
	(tag) =	ssettag s2;
	_ =	strace s9  }
0x27: {  	s1 =	sld [smem:$0x3FAC]  }
0x28: {  	s2 =	sld [smem:$0x3FAD]  }
0x29: {  	s4 =	sld [smem:$0x3FAF]  }
0x2a: {  	p0 =	seq.s32 s5, $0x0;
	s5 =	sld [smem:$0x3FB0]  }
0x2b: {  	s6 =	sld [smem:$0x3FB1]  }
0x2c: {  	s7 =	sld [smem:$0x3FB2]  }
0x2d: {  	s3 =	simm.s32 $0x108;
	s8 =	sld [smem:$0x3FB3]  }
0x2e: {  	s3 =	simm.s32 @!p0 $0x1082;
	s9 =	sld [smem:$0x3FB4]  }
0x2f: {  	lr =	sadd.s32 s0, s3;
	s0 =	sld [smem:$0x3FAB]  }
0x30: {  	s3 =	sld [smem:$0x3FAE]  }
0x31: {  	[smem:$0x3FB7] =	sst s10  }
0x32: {  	s10 =	sld [smem:$0x3FB5];
	_ =	sdelay $0x3  }
0x33: {  	p0 =	seq.s32 s10, $0x1;
	s10 =	sld [smem:$0x3FB7];
	_ =	sdelay $0x3  }
0x34: {  	[smem:$0x3FB7] =	sst s10  }
0x35: {  	s10 =	sld [smem:$0x3FB6];
	_ =	sdelay $0x3  }
0x36: {  	p1 =	seq.s32 s10, $0x1;
	s10 =	sld [smem:$0x3FB7];
	_ =	sdelay $0x3  }
0x37: {  	[smem:$0x3FB7] =	sst s10  }
0x38: {  	s10 =	sld [smem:$0x3FB8]  }
0x39: {  	_ = 	snop;
	(pc) =	sbr.ind lr, $3  }
0x3a: {  	_ = 	snop  }
0x3b: {  	_ = 	snop  }
0x3c: {  	p2 =	seq.s32 s10, $0x1;
	s10 =	sld [smem:$0x3FB7]  }
0x3d: {  	_ =	shalt  }
0x3e: {  	_ =	shalt  }
0x3f: {  	_ =	shalt  }
0x40: {  	_ =	shalt  }
0x41: {  	_ =	shalt  }
0x42: {  	_ =	shalt  }
0x43: {  	_ =	shalt  }
0x44: {  	_ =	shalt  }
0x45: {  	_ =	shalt  }
0x46: {  	_ =	shalt  }
0x47: {  	_ =	shalt  }
0x48: {  	_ =	shalt  }
0x49: {  	_ =	shalt  }
0x4a: {  	_ =	shalt  }
0x4b: {  	_ =	shalt  }
0x4c: {  	_ =	shalt  }
0x4d: {  	_ =	shalt  }
0x4e: {  	_ =	shalt  }
0x4f: {  	_ =	shalt  }
0x50: {  	_ =	shalt  }
0x51: {  	_ =	shalt  }
0x52: {  	_ =	shalt  }
0x53: {  	_ =	shalt  }
0x54: {  	_ =	shalt  }
0x55: {  	_ =	shalt  }
0x56: {  	_ =	shalt  }
0x57: {  	_ =	shalt  }
0x58: {  	_ =	shalt  }
0x59: {  	_ =	shalt  }
0x5a: {  	_ =	shalt  }
0x5b: {  	_ =	shalt  }
0x5c: {  	_ =	shalt  }
0x5d: {  	_ =	shalt  }
0x5e: {  	_ =	shalt  }
0x5f: {  	_ =	shalt  }
0x60: {  	_ =	shalt  }
0x61: {  	_ =	shalt  }
0x62: {  	_ =	shalt  }
0x63: {  	_ =	shalt  }
0x64: {  	_ =	shalt  }
0x65: {  	_ =	shalt  }
0x66: {  	_ =	shalt  }
0x67: {  	_ =	shalt  }
0x68: {  	_ =	shalt  }
0x69: {  	_ =	shalt  }
0x6a: {  	_ =	shalt  }
0x6b: {  	_ =	shalt  }
0x6c: {  	_ =	shalt  }
0x6d: {  	_ =	shalt  }
0x6e: {  	_ =	shalt  }
0x6f: {  	_ =	shalt  }
0x70: {  	_ =	shalt  }
0x71: {  	_ =	shalt  }
0x72: {  	_ =	shalt  }
0x73: {  	_ =	shalt  }
0x74: {  	_ =	shalt  }
0x75: {  	_ =	shalt  }
0x76: {  	_ =	shalt  }
0x77: {  	_ =	shalt  }
0x78: {  	_ =	shalt  }
0x79: {  	_ =	shalt  }
0x7a: {  	_ =	shalt  }
0x7b: {  	_ =	shalt  }
0x7c: {  	_ =	shalt  }
0x7d: {  	_ =	shalt  }
0x7e: {  	_ =	shalt  }
0x7f: {  	_ =	shalt  }
0x80: {  	_ =	shalt  }
0x81: {  	_ =	shalt  }
0x82: {  	_ =	shalt  }
0x83: {  	_ =	shalt  }
0x84: {  	_ =	shalt  }
0x85: {  	_ =	shalt  }
0x86: {  	_ =	shalt  }
0x87: {  	_ =	shalt  }
.Lfunc_end0:
.L_simem_size_0:
called_computation.1_lowered:
.L_overlay_start_0:
0x88: {  	s2 =	sld [smem:$0x3FD9]  }
0x89: {  	s3 =	sld [smem:$0x3FFE];
	_ =	sdelay $0x1  }
0x8a: {  	s1 =	srdreg.scid  }
0x8b: {  	s0 =	sand.u32 $0x1, s1  }
0x8c: {  	s17 =	sshll.u32 s0, $0xA;
	s2 =	sadd.s32 s3, s2  }
0x8d: {  	s2 =	sadd.s32 s2, s17  }
0x8e: {  	[smem:$0x3FC3] =	sst s2  }
0x8f: {  	_ = 	snop  }
0x90: {  	s2 =	sld [smem:$0x3FD0];
	(tm) =	ssettm $0x1  }
0x91: {  	s18 =	sld [smem:$0x3FFB];
	_ =	sdelay $0x3  }
0x92: {  	_ =	strace s18  }
0x93: {  	s3 =	sld [smem:$0x3FFC];
	_ =	sdelay $0x3  }
0x94: {  	_ =	strace s3  }
0x95: {  	s3 =	sld [smem:$0x3FFD];
	_ =	sdelay $0x3  }
0x96: {  	_ =	strace s3  }
0x97: {  	_ =	strace $0x8FFFFFFF  }
0x98: {  	s19 =	sld [smem:$0x3FDB];
	_ =	sdelay $0x1  }
0x99: {  	s4 =	simm.s32 $_scs_section_size  }
0x9a: {  	s5 =	simm.s32 $_size__tile_overlayer_lowered;
	s6 =	simm.s32 $_tile_overlayer_lowered  }
0x9b: {  	s22 =	simm.s32 $0x1BFF;
	s21 =	sshll.u32 s6, $0x1;
	s3 =	sadd.s32 s4, s19  }
0x9c: {  	s7 =	simm.s32 $0x0;
	s20 =	sshll.u32 s5, $0x1;
	s5 =	sadd.s32 s21, s3  }
0x9d: {  	[timem:s7], [sflag:s22] =	dma.local [hbm:s5], s20  }
0x9e: {  	_ =	swait.ge [sflag:s22], s20  }
0x9f: {  	s4 =	ssub.s32 $0x0, s20;
	[sflag:s22] =	ssyncset.done $0x0  }
0xa0: {  	[sflag:s22] =	ssyncadd.s32 s4;
	_ =	sdelay $0x1  }
0xa1: {  	s23 =	simm.s32 $0x1B8B  }
0xa2: {  	_ =	swait.ge [sflag:s23], $0x1  }
0xa3: {  	[sflag:s23] =	ssyncset.done $0x0  }
0xa4: {  	s25 =	simm.s32 $0x1B8E;
	s24 =	sld [smem:$0x3FFE];
	[sflag:s23] =	ssyncadd.s32 $0xFFFFFFFF  }
0xa5: {  	s26 =	simm.s32 $execute0_lowered;
	[smem:$0x3FD2] =	sst s25  }
0xa6: {  	s5 =	sshll.u32 s26, $0x1;
	_ =	strace $0x80000049;
	[dreg:$0x1] =	wrdreg $0xFFFFFFFF  }
0xa7: {  	s28 =	simm.s32 $_size_execute0_lowered;
	s3 =	sadd.s32 s3, s5;
	[dreg:$0x0] =	wrdreg $0x0  }
0xa8: {  	s5 =	sshll.u32 s28, $0x1;
	[dreg:$0x2] =	wrdreg s3  }
0xa9: {  	[dreg:$0x3] =	wrdreg s5  }
0xaa: {  	[dreg:$0x4] =	wrdreg $0xC0  }
0xab: {  	_ =	task [dreg:s7], $0x5FFFF  }
0xac: {  	[dreg:$0x1] =	wrdreg $0xFFFFFFFF  }
0xad: {  	[dreg:$0x0] =	wrdreg $0x60  }
0xae: {  	[dreg:$0x2] =	wrdreg s24  }
0xaf: {  	[dreg:$0x3] =	wrdreg s2  }
0xb0: {  	[dreg:$0x4] =	wrdreg $0x9  }
0xb1: {  	_ =	task.clear_ibuf [dreg:s7], $0x5FFFF;
	_ =	strace $0x90000049  }
0xb2: {  	s29 =	simm.s32 $0x9;
	_ =	strace $0x8000004B  }
0xb3: {  	_ =	swait.ge [sflag:s29], $0x1  }
0xb4: {  	[sflag:s29] =	ssyncadd.s32 $0xFFFFFFFF  }
0xb5: {  	_ =	strace $0x9000004B  }
0xb6: {  	_ =	sfence  }
0xb7: {  	s30 =	sld [smem:$0x0];
	_ =	sdelay $0x2  }
0xb8: {  	s31 =	sshll.u32 s1, $0xD;
	s1 =	sshrl.u32 s1, $0x2  }
0xb9: {  	s3 =	sand.u32 $0x4000, s31;
	s1 =	sadd.s32 s1, s30  }
0xba: {  	s0 =	sor.u32 s3, s0;
	s1 =	sshll.u32 s1, $0x11  }
0xbb: {  	s0 =	sor.u32 s1, s0  }
0xbc: {  	s0 =	sadd.s32 $0x8F2B, s0  }
0xbd: {  	[sflag:s0] =	ssyncadd.remote.s32 $0x1  }
0xbe: {  	_ =	sfence.sel $0xFFFF  }
0xbf: {  	[dreg:$0x0] =	wrdreg $0xFFFFFFFF;
	(pc) =	sbr.abs _section_cstart, $3  }
0xc0: {  	[dreg:$0x1] =	wrdreg $0xFFFFFFFF  }
0xc1: {  	_ =	task.clear_ibuf [dreg:s7], $0x2FFFF;
	_ =	strace $0x9FFFFFFF  }
0xc2: {  	(tm) =	ssettm $0x7FFFFFFF  }
0xc3: {  	_ =	shalt  }
tec
execute0_lowered:
.L_overlay_start_1:
0x0: {  	(tag) =	ssettag $0x1  }
0x1: {  	s0 =	rddreg [dreg:$0x0]  }
0x2: {  	s1 =	srdreg.scid;
	s9 =	stileid.u32  }
0x3: {  	s10 =	rddreg [dreg:$0x1];
	s2 =	simm.s32 $0x0;
	s5 =	simm.s32 $0x1  }
0x4: {  	s20 =	simm.s32 $0x6900;
	s21 =	simm.s32 $0x7100;
	s22 =	simm.s32 $0x7900  }
0x5: {  	s28 =	simm.s32 $0xA100;
	s29 =	simm.s32 $0xA900;
	s30 =	simm.s32 $0xB100  }
0x6: {  	s31 =	simm.s32 $0xB900;
	s1 =	sand.u32 $0x1, s1;
	s3 =	sshll.u32 s9, $0x1  }
0x7: {  	[smem:$0x7FF] =	sst s2;
	s6 =	sadd.s32 $0x1A00, s0;
	s4 =	sor.u32 s1, s3  }
0x8: {  	p1 =	seq.s32 s1, $0x1;
	_ =	strace $0x8000004A;
	s3 =	sadd.s32 $0x21C00, s0  }
0x9: {  	s24 =	ssub.s32 $0x2, s1;
	s1 =	sshll.u32 s1, $0x6;
	p0 =	seq.s32 s4, $0x0  }
0xa: {  	s7 =	sshll.u32 s4, $0xA;
	s11 =	sshll.u32 s4, $0xB;
	s25 =	sshrl.u32 s24, $0x1  }
0xb: {  	p0 =	por !p0, !p1;
	s8 =	sadd.s32 s7, s0;
	s0 =	sadd.s32 s11, s0  }
0xc: {  	s12 =	ssub.s32 s24, s25;
	s10 =	sadd.s32 s10, s11;
	p0 =	por !p0, !p0  }
0xd: {  	s24 =	simm.s32 $0x8900;
	s25 =	simm.s32 $0x9100;
	s5 =	simm.s32 @!p0 $0x0  }
0xe: {  	s7 =	sadd.s32 $0x11C00, s8;
	s8 =	sadd.s32 $0x19C00, s8;
	s23 =	ssub.s32 s9, s5  }
0xf: {  	s11 =	smax.u32 s12, $0x1;
	s12 =	simm.s32 $0x2;
	s4 =	sshll.u32 s23, $0x7  }
0x10: {  	s9 =	sadd.s32 $0x1C00, s0;
	s0 =	simm.s32 $0x0;
	s1 =	sor.u32 s1, s4  }
0x11: {  	v2 =	vlaneseq.u32;
	s23 =	simm.s32 $0x8100;
	s26 =	sshrl.u32 s1, $0x3;
	s1 =	sadd.s32 $0x800, s1  }
0x12: {  	vm0 =	vmmov $0xffff;
	v1 =	vshrl.u32 v2, $0x3;
	s4 =	simm.s32 $0x1;
	s5 =	sadd.s32 s6, s26;
	s1 =	sshrl.u32 s1, $0x3  }
0x13: {  	v0 =	vand.u32 $0x7, v2;
	v2 =	vor.u32 $0x8, v2;
	v1 =	vmul.u32 $0x8, v1;
	s26 =	simm.s32 $0x9900;
	s6 =	sadd.s32 s6, s1;
	s1 =	simm.s32 $0x10100  }
.LBB2_1:
0x14: {  	[tilespmem:s2], [sflag:$0x2] =	stream.linear.gather [hbm4b:s5+s2], $0x40, $0x38;
	[tilespmem:$0x14100] =	vst v63  }
0x15: {  	_ =	swait.ge [sflag:s12], $0x40  }
0x16: {  	[sflag:s12] =	ssyncset.done $0x0  }
0x17: {  	s13 =	simm.s32 $0x80;
	[sflag:s12] =	ssyncadd.s32 $0xFFFFFFC0  }
0x18: {  	[tilespmem:s13], [sflag:$0x2] =	stream.linear.gather [hbm4b:s6+s2], $0x40, $0x38;
	[tilespmem:$0x14100] =	vst v63  }
0x19: {  	_ =	swait.ge [sflag:s12], $0x40  }
0x1a: {  	[sflag:s12] =	ssyncset.done $0x0  }
0x1b: {  	s14 =	simm.s32 $0x100;
	[sflag:s12] =	ssyncadd.s32 $0xFFFFFFC0  }
0x1c: {  	[tilespmem:s14], [sflag:$0x2] =	stream.linear.gather [hbm4b:s7+s2], $0x2000, $0x38;
	[tilespmem:$0x14100] =	vst v63  }
0x1d: {  	_ =	swait.ge [sflag:s12], $0x2000  }
0x1e: {  	[sflag:s12] =	ssyncset.done $0x0  }
0x1f: {  	s13 =	simm.s32 $0x2100;
	[sflag:s12] =	ssyncadd.s32 $0xFFFFE000  }
0x20: {  	[tilespmem:s13], [sflag:$0x2] =	stream.linear.gather [hbm4b:s8+s2], $0x2000, $0x38;
	[tilespmem:$0x14100] =	vst v63  }
0x21: {  	_ =	swait.ge [sflag:s12], $0x2000  }
0x22: {  	[sflag:s12] =	ssyncset.done $0x0  }
0x23: {  	s15 =	simm.s32 $0xC100;
	[sflag:s12] =	ssyncadd.s32 $0xFFFFE000  }
0x24: {  	[tilespmem:s15], [sflag:$0x2] =	stream.linear.gather [hbm4b:s9+s2], $0x4000, $0x38;
	[tilespmem:$0x14100] =	vst v63  }
0x25: {  	_ =	swait.ge [sflag:s12], $0x4000  }
0x26: {  	[sflag:s12] =	ssyncset.done $0x0  }
0x27: {  	[sflag:s12] =	ssyncadd.s32 $0xFFFFC000  }
0x28: {  	v3 =	vld [tilespmem:$0x0];
	_ =	sdelay $0x4  }
0x29: {  	v4 =	vshll.u32 v3, $0x1  }
0x2a: {  	v3 =	vand.u32 $0x7, v3;
	v4 =	vand.u32 $0xFFFFFFF0, v4  }
0x2b: {  	v3 =	vor.u32 v3, v4  }
0x2c: {  	v4 =	vperm.xlane v3, v0;
	_ =	sdelay $0x1  }
0x2d: {  	v3 =	vperm.xlane v3, v2;
	v4 =	vadd.s32 v1, v4;
	_ =	sdelay $0x1  }
0x2e: {  	v3 =	vadd.s32 v1, v3;
	_ =	sdelay $0x1  }
0x2f: {  	s17 =	simm.s32 $0x4100  }
0x30: {  	[tilespmem:s17], [sflag:$0x1] =	stream.indirect_vreg.gather [hbm4b:s3+s2], $0x80, v4, vm0, $0xb8;
	[tilespmem:$0x14100] =	vst v63  }
0x31: {  	s18 =	simm.s32 $0x4900  }
0x32: {  	[tilespmem:s18], [sflag:$0x1] =	stream.indirect_vreg.gather [hbm4b:s3+s2], $0x80, v3, vm0, $0xb8;
	[tilespmem:$0x14100] =	vst v63  }
0x33: {  	v3 =	vld [tilespmem:$0x10];
	_ =	sdelay $0x4  }
0x34: {  	v4 =	vshll.u32 v3, $0x1  }
0x35: {  	v3 =	vand.u32 $0x7, v3;
	v4 =	vand.u32 $0xFFFFFFF0, v4  }
0x36: {  	v3 =	vor.u32 v3, v4  }
0x37: {  	v4 =	vperm.xlane v3, v0;
	_ =	sdelay $0x1  }
0x38: {  	v3 =	vperm.xlane v3, v2;
	v4 =	vadd.s32 v1, v4;
	_ =	sdelay $0x1  }
0x39: {  	v3 =	vadd.s32 v1, v3;
	_ =	sdelay $0x1  }
0x3a: {  	s19 =	simm.s32 $0x5100  }
0x3b: {  	[tilespmem:s19], [sflag:$0x1] =	stream.indirect_vreg.gather [hbm4b:s3+s2], $0x80, v4, vm0, $0xb8;
	[tilespmem:$0x14100] =	vst v63  }
0x3c: {  	s16 =	simm.s32 $0x5900  }
0x3d: {  	[tilespmem:s16], [sflag:$0x1] =	stream.indirect_vreg.gather [hbm4b:s3+s2], $0x80, v3, vm0, $0xb8;
	[tilespmem:$0x14100] =	vst v63  }
0x3e: {  	v3 =	vld [tilespmem:$0x20];
	_ =	sdelay $0x4  }
0x3f: {  	v4 =	vshll.u32 v3, $0x1  }
0x40: {  	v3 =	vand.u32 $0x7, v3;
	v4 =	vand.u32 $0xFFFFFFF0, v4  }
0x41: {  	v3 =	vor.u32 v3, v4  }
0x42: {  	v4 =	vperm.xlane v3, v0;
	_ =	sdelay $0x1  }
0x43: {  	v3 =	vperm.xlane v3, v2;
	v4 =	vadd.s32 v1, v4;
	_ =	sdelay $0x1  }
0x44: {  	v3 =	vadd.s32 v1, v3;
	_ =	sdelay $0x1  }
0x45: {  	s17 =	simm.s32 $0x6100  }
0x46: {  	[tilespmem:s17], [sflag:$0x1] =	stream.indirect_vreg.gather [hbm4b:s3+s2], $0x80, v4, vm0, $0xb8;
	[tilespmem:$0x14100] =	vst v63  }
0x47: {  	_ = 	snop  }
0x48: {  	[tilespmem:s20], [sflag:$0x1] =	stream.indirect_vreg.gather [hbm4b:s3+s2], $0x80, v3, vm0, $0xb8;
	[tilespmem:$0x14100] =	vst v63  }
0x49: {  	v3 =	vld [tilespmem:$0x30];
	_ =	sdelay $0x4  }
0x4a: {  	v4 =	vshll.u32 v3, $0x1  }
0x4b: {  	v3 =	vand.u32 $0x7, v3;
	v4 =	vand.u32 $0xFFFFFFF0, v4  }
0x4c: {  	v3 =	vor.u32 v3, v4  }
0x4d: {  	v4 =	vperm.xlane v3, v0;
	_ =	sdelay $0x1  }
0x4e: {  	v3 =	vperm.xlane v3, v2;
	v4 =	vadd.s32 v1, v4;
	_ =	sdelay $0x1  }
0x4f: {  	v3 =	vadd.s32 v1, v3;
	_ =	sdelay $0x2  }
0x50: {  	[tilespmem:s21], [sflag:$0x1] =	stream.indirect_vreg.gather [hbm4b:s3+s2], $0x80, v4, vm0, $0xb8;
	[tilespmem:$0x14100] =	vst v63  }
0x51: {  	_ = 	snop  }
0x52: {  	[tilespmem:s22], [sflag:$0x1] =	stream.indirect_vreg.gather [hbm4b:s3+s2], $0x80, v3, vm0, $0xb8;
	[tilespmem:$0x14100] =	vst v63  }
0x53: {  	v3 =	vld [tilespmem:$0x80];
	_ =	sdelay $0x4  }
0x54: {  	v4 =	vshll.u32 v3, $0x1  }
0x55: {  	v3 =	vand.u32 $0x7, v3;
	v4 =	vand.u32 $0xFFFFFFF0, v4  }
0x56: {  	v3 =	vor.u32 v3, v4  }
0x57: {  	v4 =	vperm.xlane v3, v0;
	_ =	sdelay $0x1  }
0x58: {  	v3 =	vperm.xlane v3, v2;
	v4 =	vadd.s32 v1, v4;
	_ =	sdelay $0x1  }
0x59: {  	v3 =	vadd.s32 v1, v3;
	_ =	sdelay $0x2  }
0x5a: {  	[tilespmem:s23], [sflag:$0x1] =	stream.indirect_vreg.gather [hbm4b:s3+s2], $0x80, v4, vm0, $0xb8;
	[tilespmem:$0x14100] =	vst v63  }
0x5b: {  	_ = 	snop  }
0x5c: {  	[tilespmem:s24], [sflag:$0x1] =	stream.indirect_vreg.gather [hbm4b:s3+s2], $0x80, v3, vm0, $0xb8;
	[tilespmem:$0x14100] =	vst v63  }
0x5d: {  	v3 =	vld [tilespmem:$0x90];
	_ =	sdelay $0x4  }
0x5e: {  	v4 =	vshll.u32 v3, $0x1  }
0x5f: {  	v3 =	vand.u32 $0x7, v3;
	v4 =	vand.u32 $0xFFFFFFF0, v4  }
0x60: {  	v3 =	vor.u32 v3, v4  }
0x61: {  	v4 =	vperm.xlane v3, v0;
	_ =	sdelay $0x1  }
0x62: {  	v3 =	vperm.xlane v3, v2;
	v4 =	vadd.s32 v1, v4;
	_ =	sdelay $0x1  }
0x63: {  	v3 =	vadd.s32 v1, v3;
	_ =	sdelay $0x2  }
0x64: {  	[tilespmem:s25], [sflag:$0x1] =	stream.indirect_vreg.gather [hbm4b:s3+s2], $0x80, v4, vm0, $0xb8;
	[tilespmem:$0x14100] =	vst v63  }
0x65: {  	_ = 	snop  }
0x66: {  	[tilespmem:s26], [sflag:$0x1] =	stream.indirect_vreg.gather [hbm4b:s3+s2], $0x80, v3, vm0, $0xb8;
	[tilespmem:$0x14100] =	vst v63  }
0x67: {  	v3 =	vld [tilespmem:$0xA0];
	_ =	sdelay $0x4  }
0x68: {  	v4 =	vshll.u32 v3, $0x1  }
0x69: {  	v3 =	vand.u32 $0x7, v3;
	v4 =	vand.u32 $0xFFFFFFF0, v4  }
0x6a: {  	v3 =	vor.u32 v3, v4  }
0x6b: {  	v4 =	vperm.xlane v3, v0;
	_ =	sdelay $0x1  }
0x6c: {  	v3 =	vperm.xlane v3, v2;
	v4 =	vadd.s32 v1, v4;
	_ =	sdelay $0x1  }
0x6d: {  	v3 =	vadd.s32 v1, v3;
	_ =	sdelay $0x2  }
0x6e: {  	[tilespmem:s28], [sflag:$0x1] =	stream.indirect_vreg.gather [hbm4b:s3+s2], $0x80, v4, vm0, $0xb8;
	[tilespmem:$0x14100] =	vst v63  }
0x6f: {  	_ = 	snop  }
0x70: {  	[tilespmem:s29], [sflag:$0x1] =	stream.indirect_vreg.gather [hbm4b:s3+s2], $0x80, v3, vm0, $0xb8;
	[tilespmem:$0x14100] =	vst v63  }
0x71: {  	v3 =	vld [tilespmem:$0xB0];
	_ =	sdelay $0x4  }
0x72: {  	v4 =	vshll.u32 v3, $0x1  }
0x73: {  	v3 =	vand.u32 $0x7, v3;
	v4 =	vand.u32 $0xFFFFFFF0, v4  }
0x74: {  	v3 =	vor.u32 v3, v4  }
0x75: {  	v4 =	vperm.xlane v3, v0;
	_ =	sdelay $0x1  }
0x76: {  	v3 =	vperm.xlane v3, v2;
	v4 =	vadd.s32 v1, v4;
	_ =	sdelay $0x1  }
0x77: {  	v3 =	vadd.s32 v1, v3;
	_ =	sdelay $0x2  }
0x78: {  	[tilespmem:s30], [sflag:$0x1] =	stream.indirect_vreg.gather [hbm4b:s3+s2], $0x80, v4, vm0, $0xb8;
	[tilespmem:$0x14100] =	vst v63  }
0x79: {  	_ = 	snop  }
0x7a: {  	[tilespmem:s31], [sflag:$0x1] =	stream.indirect_vreg.gather [hbm4b:s3+s2], $0x80, v3, vm0, $0xb8;
	[tilespmem:$0x14100] =	vst v63  }
0x7b: {  	_ =	swait.ge [sflag:s4], $0x4000  }
0x7c: {  	[sflag:s4] =	ssyncset.done $0x0  }
0x7d: {  	[sflag:s4] =	ssyncadd.s32 $0xFFFFC000  }
0x7e: {  	_ =	swait.ge [sflag:s4], $0x4000  }
0x7f: {  	s18 =	sand.u32 $0x3800, s2;
	s16 =	sand.u32 $0x380, s2;
	[sflag:s4] =	ssyncset.done $0x0  }
0x80: {  	s16 =	sor.u32 s16, s18;
	[sflag:s4] =	ssyncadd.s32 $0xFFFFC000  }
0x81: {  	v3 =	vld [tilespmem:s16+$0xC110]  }
0x82: {  	v4 =	vld [tilespmem:s16+$0xC120]  }
0x83: {  	v5 =	vld [tilespmem:s16+$0xC130]  }
0x84: {  	v6 =	vld [tilespmem:s16+$0xC140]  }
0x85: {  	v7 =	vld [tilespmem:s16+$0xC150]  }
0x86: {  	v8 =	vld [tilespmem:s16+$0xC160]  }
0x87: {  	v9 =	vld [tilespmem:s16+$0xC170]  }
0x88: {  	v10 =	vld [tilespmem:s16+$0xC500]  }
0x89: {  	v11 =	vld [tilespmem:s16+$0xC510]  }
0x8a: {  	v12 =	vld [tilespmem:s16+$0xC520]  }
0x8b: {  	v13 =	vld [tilespmem:s16+$0xC530]  }
0x8c: {  	v14 =	vld [tilespmem:s16+$0xC540]  }
0x8d: {  	v15 =	vld [tilespmem:s16+$0xC550]  }
0x8e: {  	v17 =	vld [tilespmem:s16+$0x4100]  }
0x8f: {  	v16 =	vld [tilespmem:s16+$0x4110]  }
0x90: {  	v18 =	vld [tilespmem:s16+$0x8110]  }
0x91: {  	v19 =	vld [tilespmem:s16+$0x4120]  }
0x92: {  	v20 =	vld [tilespmem:s16+$0x8120]  }
0x93: {  	v21 =	vld [tilespmem:s16+$0x4130]  }
0x94: {  	v22 =	vld [tilespmem:s16+$0x8130]  }
0x95: {  	v23 =	vld [tilespmem:s16+$0x4140]  }
0x96: {  	v24 =	vld [tilespmem:s16+$0x8140]  }
0x97: {  	v25 =	vld [tilespmem:s16+$0x4150]  }
0x98: {  	v26 =	vld [tilespmem:s14+$0x0]  }
0x99: {  	v27 =	vld [tilespmem:s13+$0x0]  }
0x9a: {  	v28 =	vld [tilespmem:s16+$0x8150]  }
0x9b: {  	v29 =	vld [tilespmem:s16+$0x4160]  }
0x9c: {  	v30 =	vld [tilespmem:s16+$0x8160]  }
0x9d: {  	v31 =	vld [tilespmem:s16+$0x4170]  }
0x9e: {  	v32 =	vld [tilespmem:s16+$0x8170];
	v16 =	vmul.f32 v16, v26;
	v21 =	vmul.f32 v21, v26  }
0x9f: {  	v33 =	vld [tilespmem:s16+$0x4500];
	v19 =	vmul.f32 v19, v26;
	v20 =	vmul.f32 v20, v27  }
0xa0: {  	v34 =	vld [tilespmem:s16+$0x8500];
	v18 =	vmul.f32 v18, v27;
	v22 =	vmul.f32 v22, v27  }
0xa1: {  	v19 =	vadd.f32 v20, v19;
	v20 =	vmul.f32 v23, v26;
	v23 =	vmul.f32 v24, v27;
	v24 =	vld [tilespmem:s16+$0x4510]  }
0xa2: {  	v16 =	vadd.f32 v18, v16;
	v18 =	vadd.f32 v22, v21;
	v21 =	vmul.f32 v25, v26;
	v22 =	vld [tilespmem:s16+$0x8510]  }
0xa3: {  	v25 =	vld [tilespmem:s16+$0x4530];
	v4 =	vadd.f32 v19, v4;
	v19 =	vadd.f32 v23, v20;
	v20 =	vmul.f32 v28, v27  }
0xa4: {  	v23 =	vld [tilespmem:s16+$0x4520];
	v3 =	vadd.f32 v16, v3;
	v5 =	vadd.f32 v18, v5  }
0xa5: {  	v16 =	vld [tilespmem:s16+$0x8520];
	v18 =	vmul.f32 v29, v26;
	v20 =	vadd.f32 v20, v21;
	v21 =	vmul.f32 v30, v27  }
0xa6: {  	v28 =	vmul.f32 v32, v27;
	v29 =	vld [tilespmem:s16+$0x8530];
	v6 =	vadd.f32 v19, v6;
	v19 =	vmul.f32 v31, v26;
	[tilespmem:s16+$0x10120] =	vst v4  }
0xa7: {  	[tilespmem:s16+$0x10110] =	vst v3;
	v3 =	vmul.f32 v33, v26;
	v4 =	vadd.f32 v20, v7;
	v7 =	vadd.f32 v21, v18;
	v18 =	vld [tilespmem:s16+$0x4540]  }
0xa8: {  	[tilespmem:s16+$0x10130] =	vst v5;
	v5 =	vmul.f32 v24, v26;
	v19 =	vadd.f32 v28, v19;
	v20 =	vmul.f32 v34, v27;
	v21 =	vld [tilespmem:s16+$0x8540]  }
0xa9: {  	[tilespmem:s16+$0x10140] =	vst v6;
	v6 =	vmul.f32 v23, v26;
	v7 =	vadd.f32 v7, v8;
	v8 =	vmul.f32 v22, v27;
	v22 =	vld [tilespmem:s16+$0x4550]  }
0xaa: {  	v16 =	vmul.f32 v16, v27;
	v3 =	vadd.f32 v20, v3;
	v20 =	vld [tilespmem:s16+$0x8550];
	[tilespmem:s16+$0x10150] =	vst v4;
	v4 =	vadd.f32 v19, v9  }
0xab: {  	v9 =	vld [tilespmem:s16+$0x4560];
	v5 =	vadd.f32 v8, v5;
	v8 =	vmul.f32 v25, v26;
	[tilespmem:s16+$0x10160] =	vst v7;
	v7 =	vmul.f32 v29, v27  }
0xac: {  	v6 =	vadd.f32 v16, v6;
	v3 =	vadd.f32 v3, v10;
	v10 =	vld [tilespmem:s16+$0x8560]  }
0xad: {  	[tilespmem:s16+$0x10170] =	vst v4;
	v4 =	vadd.f32 v5, v11;
	v5 =	vld [tilespmem:s16+$0x4570];
	v7 =	vadd.f32 v7, v8  }
0xae: {  	s15 =	simm.s32 $0x100;
	s19 =	simm.s32 $0x80;
	[tilespmem:s16+$0x10500] =	vst v3;
	v3 =	vadd.f32 v6, v12;
	v6 =	vmul.f32 v18, v26;
	v8 =	vld [tilespmem:s16+$0x8570];
	v11 =	vmul.f32 v21, v27  }
0xaf: {  	s17 =	sand.u32 $0x3800, s15;
	s14 =	sand.u32 $0x380, s19;
	[tilespmem:s16+$0x10510] =	vst v4;
	v4 =	vld [tilespmem:s16+$0x8100];
	v7 =	vadd.f32 v7, v13  }
0xb0: {  	s14 =	sor.u32 s14, s17;
	[tilespmem:s16+$0x10520] =	vst v3;
	v3 =	vmul.f32 v22, v26;
	v13 =	vmul.f32 v20, v27;
	v6 =	vadd.f32 v11, v6;
	v11 =	vld [tilespmem:s16+$0xC560]  }
0xb1: {  	v12 =	vld [tilespmem:s14+$0xC110]  }
0xb2: {  	[tilespmem:s16+$0x10530] =	vst v7;
	v3 =	vadd.f32 v13, v3;
	v7 =	vmul.f32 v9, v26;
	v9 =	vmul.f32 v10, v27;
	v10 =	vld [tilespmem:s16+$0xC570]  }
0xb3: {  	v6 =	vadd.f32 v6, v14;
	v16 =	vld [tilespmem:s14+$0xC120]  }
0xb4: {  	v14 =	vld [tilespmem:s14+$0xC130];
	v3 =	vadd.f32 v3, v15  }
0xb5: {  	v5 =	vmul.f32 v5, v26;
	[tilespmem:s16+$0x10540] =	vst v6;
	v6 =	vmul.f32 v8, v27;
	v8 =	vld [tilespmem:s16+$0xC100]  }
0xb6: {  	v7 =	vadd.f32 v9, v7;
	v9 =	vmul.f32 v17, v26;
	v15 =	vld [tilespmem:s14+$0xC140];
	[tilespmem:s16+$0x10550] =	vst v3;
	v3 =	vmul.f32 v4, v27  }
0xb7: {  	v4 =	vadd.f32 v6, v5  }
0xb8: {  	v5 =	vadd.f32 v7, v11;
	v3 =	vadd.f32 v3, v9  }
0xb9: {  	v13 =	vld [tilespmem:s14+$0xC150];
	v4 =	vadd.f32 v4, v10  }
0xba: {  	v11 =	vld [tilespmem:s14+$0xC160];
	[tilespmem:s16+$0x10560] =	vst v5;
	v3 =	vadd.f32 v3, v8  }
0xbb: {  	v10 =	vld [tilespmem:s14+$0xC170];
	[tilespmem:s16+$0x10570] =	vst v4  }
0xbc: {  	v9 =	vld [tilespmem:s14+$0xC500];
	[tilespmem:s16+$0x10100] =	vst v3  }
0xbd: {  	v8 =	vld [tilespmem:s14+$0xC510]  }
0xbe: {  	v7 =	vld [tilespmem:s14+$0xC520]  }
0xbf: {  	v6 =	vld [tilespmem:s14+$0xC530]  }
0xc0: {  	v4 =	vld [tilespmem:s14+$0xC540]  }
0xc1: {  	v3 =	vld [tilespmem:s14+$0xC550]  }
0xc2: {  	v5 =	vld [tilespmem:s14+$0x4100]  }
0xc3: {  	v24 =	vld [tilespmem:s14+$0x4110]  }
0xc4: {  	v22 =	vld [tilespmem:s14+$0x8110]  }
0xc5: {  	v26 =	vld [tilespmem:s14+$0x4120]  }
0xc6: {  	v28 =	vld [tilespmem:s14+$0x8120]  }
0xc7: {  	v27 =	vld [tilespmem:s14+$0x4130]  }
0xc8: {  	v25 =	vld [tilespmem:s14+$0x8130]  }
0xc9: {  	v21 =	vld [tilespmem:s14+$0x4140]  }
0xca: {  	v23 =	vld [tilespmem:s14+$0x8140]  }
0xcb: {  	v20 =	vld [tilespmem:s14+$0x4150]  }
0xcc: {  	v19 =	vld [tilespmem:s14+$0x8150]  }
0xcd: {  	v18 =	vld [tilespmem:s14+$0x4160]  }
0xce: {  	s17 =	simm.s32 $0x100;
	s16 =	simm.s32 $0x180;
	v17 =	vld [tilespmem:s14+$0x8160]  }
.LBB2_2:
0xcf: {  	p0 =	sne.s32 s17, $0x1F80;
	v29 =	vld [tilespmem:s16+$0x0];
	s13 =	sadd.s32 $0x80, s13  }
0xd0: {  	v30 =	vld [tilespmem:s13+$0x0]  }
0xd1: {  	v31 =	vld [tilespmem:s14+$0x4170]  }
0xd2: {  	v32 =	vld [tilespmem:s14+$0x8170]  }
0xd3: {  	v33 =	vld [tilespmem:s14+$0x4500]  }
0xd4: {  	v24 =	vmul.f32 v24, v29;
	v27 =	vmul.f32 v27, v29;
	v34 =	vld [tilespmem:s14+$0x8500]  }
0xd5: {  	v26 =	vmul.f32 v26, v29;
	v28 =	vmul.f32 v28, v30;
	v35 =	vld [tilespmem:s14+$0x4510]  }
0xd6: {  	v22 =	vmul.f32 v22, v30;
	v25 =	vmul.f32 v25, v30;
	v36 =	vld [tilespmem:s14+$0x8510]  }
0xd7: {  	v21 =	vmul.f32 v21, v29;
	v23 =	vmul.f32 v23, v30;
	v26 =	vadd.f32 v28, v26;
	v28 =	vld [tilespmem:s14+$0x4520]  }
0xd8: {  	v20 =	vmul.f32 v20, v29;
	v22 =	vadd.f32 v22, v24;
	v24 =	vadd.f32 v25, v27;
	v25 =	vld [tilespmem:s14+$0x8520]  }
0xd9: {  	v19 =	vmul.f32 v19, v30;
	v21 =	vadd.f32 v23, v21;
	v16 =	vadd.f32 v26, v16;
	v23 =	vld [tilespmem:s14+$0x4530]  }
0xda: {  	v18 =	vmul.f32 v18, v29;
	v12 =	vadd.f32 v22, v12;
	v14 =	vadd.f32 v24, v14;
	v22 =	vld [tilespmem:s14+$0x8530]  }
0xdb: {  	v17 =	vmul.f32 v17, v30;
	v15 =	vadd.f32 v21, v15;
	[tilespmem:s14+$0x10120] =	vst v16;
	v16 =	vadd.f32 v19, v20;
	v19 =	vld [tilespmem:s14+$0x4540]  }
0xdc: {  	v20 =	vmul.f32 v32, v30;
	[tilespmem:s14+$0x10110] =	vst v12;
	v12 =	vmul.f32 v31, v29;
	v21 =	vld [tilespmem:s14+$0x8540]  }
0xdd: {  	[tilespmem:s14+$0x10130] =	vst v14;
	v13 =	vadd.f32 v16, v13;
	v14 =	vadd.f32 v17, v18;
	v16 =	vmul.f32 v33, v29;
	v17 =	vld [tilespmem:s14+$0x4550]  }
0xde: {  	v18 =	vmul.f32 v35, v29;
	[tilespmem:s14+$0x10140] =	vst v15;
	v12 =	vadd.f32 v20, v12;
	v15 =	vmul.f32 v34, v30;
	v20 =	vld [tilespmem:s14+$0x8550]  }
0xdf: {  	[tilespmem:s14+$0x10150] =	vst v13;
	v11 =	vadd.f32 v14, v11;
	v13 =	vmul.f32 v36, v30;
	v14 =	vmul.f32 v28, v29;
	v24 =	vld [tilespmem:s14+$0x4560]  }
0xe0: {  	v10 =	vadd.f32 v12, v10;
	v12 =	vadd.f32 v15, v16;
	v15 =	vmul.f32 v25, v30;
	v16 =	vld [tilespmem:s14+$0x8560]  }
0xe1: {  	[tilespmem:s14+$0x10160] =	vst v11;
	v11 =	vadd.f32 v13, v18;
	v13 =	vmul.f32 v23, v29;
	v18 =	vmul.f32 v22, v30;
	v22 =	vld [tilespmem:s14+$0x4570]  }
0xe2: {  	[tilespmem:s14+$0x10170] =	vst v10;
	v9 =	vadd.f32 v12, v9;
	v10 =	vadd.f32 v15, v14;
	v12 =	vmul.f32 v19, v29;
	v14 =	vld [tilespmem:s14+$0x8570]  }
0xe3: {  	v15 =	vld [tilespmem:s14+$0x8100];
	v8 =	vadd.f32 v11, v8;
	v11 =	vadd.f32 v18, v13;
	v13 =	vmul.f32 v21, v30  }
0xe4: {  	s15 =	sadd.s32 $0x100, s15;
	v18 =	vld [tilespmem:s14+$0xC100];
	[tilespmem:s14+$0x10500] =	vst v9;
	v7 =	vadd.f32 v10, v7;
	v9 =	vmul.f32 v17, v29;
	v10 =	vmul.f32 v20, v30  }
0xe5: {  	s19 =	sand.u32 $0x380, s17;
	s18 =	sand.u32 $0x3800, s15;
	[tilespmem:s14+$0x10510] =	vst v8;
	v6 =	vadd.f32 v11, v6;
	v8 =	vadd.f32 v13, v12;
	v11 =	vmul.f32 v24, v29;
	v13 =	vld [tilespmem:s14+$0xC560]  }
0xe6: {  	s18 =	sor.u32 s19, s18;
	[tilespmem:s14+$0x10520] =	vst v7;
	v7 =	vadd.f32 v10, v9;
	v9 =	vmul.f32 v16, v30;
	v10 =	vmul.f32 v22, v29;
	v17 =	vld [tilespmem:s14+$0xC570]  }
0xe7: {  	v5 =	vmul.f32 v5, v29;
	v12 =	vld [tilespmem:s18+$0xC110];
	[tilespmem:s14+$0x10530] =	vst v6;
	v4 =	vadd.f32 v8, v4;
	v6 =	vmul.f32 v14, v30  }
0xe8: {  	v16 =	vld [tilespmem:s18+$0xC120];
	v8 =	vmul.f32 v15, v30;
	v3 =	vadd.f32 v7, v3;
	v7 =	vadd.f32 v9, v11  }
0xe9: {  	v14 =	vld [tilespmem:s18+$0xC130];
	[tilespmem:s14+$0x10540] =	vst v4;
	v4 =	vadd.f32 v6, v10  }
0xea: {  	v15 =	vld [tilespmem:s18+$0xC140];
	v5 =	vadd.f32 v8, v5;
	[tilespmem:s14+$0x10550] =	vst v3;
	v3 =	vadd.f32 v7, v13  }
0xeb: {  	v13 =	vld [tilespmem:s18+$0xC150];
	v4 =	vadd.f32 v4, v17  }
0xec: {  	v11 =	vld [tilespmem:s18+$0xC160];
	v5 =	vadd.f32 v5, v18;
	[tilespmem:s14+$0x10560] =	vst v3  }
0xed: {  	v10 =	vld [tilespmem:s18+$0xC170];
	[tilespmem:s14+$0x10570] =	vst v4  }
0xee: {  	v9 =	vld [tilespmem:s18+$0xC500];
	[tilespmem:s14+$0x10100] =	vst v5;
	s14 =	smov.u32 s18  }
0xef: {  	v8 =	vld [tilespmem:s14+$0xC510]  }
0xf0: {  	v7 =	vld [tilespmem:s14+$0xC520]  }
0xf1: {  	v6 =	vld [tilespmem:s14+$0xC530]  }
0xf2: {  	v4 =	vld [tilespmem:s14+$0xC540]  }
0xf3: {  	v3 =	vld [tilespmem:s14+$0xC550]  }
0xf4: {  	v5 =	vld [tilespmem:s14+$0x4100]  }
0xf5: {  	v24 =	vld [tilespmem:s14+$0x4110]  }
0xf6: {  	v22 =	vld [tilespmem:s14+$0x8110]  }
0xf7: {  	v26 =	vld [tilespmem:s14+$0x4120]  }
0xf8: {  	v28 =	vld [tilespmem:s14+$0x8120]  }
0xf9: {  	v27 =	vld [tilespmem:s14+$0x4130]  }
0xfa: {  	v25 =	vld [tilespmem:s14+$0x8130]  }
0xfb: {  	v21 =	vld [tilespmem:s14+$0x4140]  }
.Ltmp0:
0xfc: {  	v23 =	vld [tilespmem:s14+$0x8140];
	(pc) =	sbr.rel @p0 .LBB2_2-.Ltmp0, $4  }
0xfd: {  	v20 =	vld [tilespmem:s14+$0x4150]  }
0xfe: {  	v19 =	vld [tilespmem:s14+$0x8150]  }
0xff: {  	v18 =	vld [tilespmem:s14+$0x4160]  }
0x100: {  	s17 =	sadd.s32 $0x80, s17;
	s16 =	sadd.s32 $0x80, s16;
	v17 =	vld [tilespmem:s14+$0x8160]  }
0x101: {  	v29 =	vld [tilespmem:s16+$0x0]  }
0x102: {  	v33 =	vld [tilespmem:s14+$0x4500]  }
0x103: {  	v35 =	vld [tilespmem:s14+$0x4510]  }
0x104: {  	v56 =	vld [tilespmem:s14+$0x4520]  }
0x105: {  	v57 =	vld [tilespmem:s14+$0x4530]  }
0x106: {  	v60 =	vld [tilespmem:s14+$0x4540];
	v26 =	vmul.f32 v26, v29  }
0x107: {  	s13 =	sadd.s32 $0x80, s13;
	v63 =	vld [tilespmem:s14+$0x4550];
	v24 =	vmul.f32 v24, v29;
	v27 =	vmul.f32 v27, v29  }
0x108: {  	v30 =	vld [tilespmem:s13+$0x0];
	v21 =	vmul.f32 v21, v29;
	v59 =	vmul.f32 v20, v29  }
0x109: {  	v62 =	vmul.f32 v18, v29;
	v39 =	vmul.f32 v33, v29  }
0x10a: {  	v31 =	vld [tilespmem:s14+$0x4170];
	v41 =	vmul.f32 v35, v29;
	v44 =	vmul.f32 v56, v29  }
0x10b: {  	v58 =	vld [tilespmem:s14+$0x8530];
	v47 =	vmul.f32 v57, v29;
	v51 =	vmul.f32 v60, v29  }
0x10c: {  	v61 =	vld [tilespmem:s14+$0x8540];
	v54 =	vmul.f32 v63, v29;
	v5 =	vmul.f32 v5, v29  }
0x10d: {  	v34 =	vld [tilespmem:s14+$0x8500];
	v28 =	vmul.f32 v28, v30;
	v22 =	vmul.f32 v22, v30  }
0x10e: {  	v32 =	vld [tilespmem:s14+$0x8170];
	v25 =	vmul.f32 v25, v30;
	v23 =	vmul.f32 v23, v30  }
0x10f: {  	v36 =	vld [tilespmem:s14+$0x8510];
	v19 =	vmul.f32 v19, v30;
	v17 =	vmul.f32 v17, v30;
	v26 =	vadd.f32 v28, v26  }
0x110: {  	v48 =	vld [tilespmem:s14+$0x8100];
	v49 =	vmul.f32 v58, v30;
	v22 =	vadd.f32 v22, v24;
	v25 =	vadd.f32 v25, v27  }
0x111: {  	v37 =	vld [tilespmem:s14+$0x8520];
	v53 =	vmul.f32 v61, v30;
	v21 =	vadd.f32 v23, v21;
	v16 =	vadd.f32 v26, v16  }
0x112: {  	v38 =	vld [tilespmem:s14+$0x8560];
	v40 =	vmul.f32 v34, v30;
	v52 =	vadd.f32 v49, v47;
	v12 =	vadd.f32 v22, v12  }
0x113: {  	v43 =	vld [tilespmem:s14+$0x4570];
	v23 =	vmul.f32 v31, v29;
	v56 =	vadd.f32 v53, v51;
	v14 =	vadd.f32 v25, v14;
	[tilespmem:s14+$0x10120] =	vst v16  }
0x114: {  	v50 =	vld [tilespmem:s14+$0xC100];
	v15 =	vadd.f32 v21, v15;
	v25 =	vmul.f32 v32, v30;
	v6 =	vadd.f32 v52, v6;
	[tilespmem:s14+$0x10110] =	vst v12  }
0x115: {  	v60 =	vmul.f32 v48, v30;
	v27 =	vld [tilespmem:s14+$0x8550];
	v4 =	vadd.f32 v56, v4;
	[tilespmem:s14+$0x10130] =	vst v14;
	v14 =	vadd.f32 v17, v62  }
0x116: {  	v42 =	vmul.f32 v36, v30;
	v32 =	vld [tilespmem:s14+$0x4560];
	v16 =	vadd.f32 v19, v59;
	[tilespmem:s14+$0x10140] =	vst v15;
	v31 =	vadd.f32 v25, v23  }
0x117: {  	v46 =	vld [tilespmem:s14+$0x8570];
	v45 =	vmul.f32 v37, v30;
	[tilespmem:s14+$0x10530] =	vst v6;
	v62 =	vadd.f32 v60, v5;
	v11 =	vadd.f32 v14, v11  }
0x118: {  	v57 =	vmul.f32 v38, v30;
	[tilespmem:s14+$0x10540] =	vst v4;
	v13 =	vadd.f32 v16, v13;
	v10 =	vadd.f32 v31, v10  }
0x119: {  	v58 =	vmul.f32 v43, v29;
	v16 =	vadd.f32 v40, v39;
	[tilespmem:s14+$0x10160] =	vst v11;
	v11 =	vadd.f32 v42, v41  }
0x11a: {  	v55 =	vld [tilespmem:s14+$0xC560];
	v17 =	vmul.f32 v27, v30;
	v4 =	vadd.f32 v62, v50;
	[tilespmem:s14+$0x10170] =	vst v10;
	v10 =	vadd.f32 v45, v44  }
0x11b: {  	v59 =	vld [tilespmem:s14+$0xC570];
	v14 =	vmul.f32 v32, v29;
	[tilespmem:s14+$0x10150] =	vst v13;
	v9 =	vadd.f32 v16, v9;
	v8 =	vadd.f32 v11, v8  }
0x11c: {  	v13 =	vmul.f32 v46, v30;
	[tilespmem:s14+$0x10100] =	vst v4;
	v7 =	vadd.f32 v10, v7;
	v10 =	vadd.f32 v17, v54  }
0x11d: {  	[tilespmem:s14+$0x10510] =	vst v8;
	v8 =	vadd.f32 v57, v14  }
0x11e: {  	[tilespmem:s14+$0x10500] =	vst v9;
	v61 =	vadd.f32 v13, v58;
	v3 =	vadd.f32 v10, v3  }
0x11f: {  	[tilespmem:s14+$0x10520] =	vst v7;
	v63 =	vadd.f32 v8, v55  }
0x120: {  	s0 =	sadd.s32 $0x1, s0;
	[tilespmem:s14+$0x10550] =	vst v3;
	v3 =	vadd.f32 v61, v59  }
0x121: {  	p0 =	sne.s32 s0, s11;
	[tilespmem:s14+$0x10560] =	vst v63  }
.Ltmp1:
0x122: {  	[tilespmem:s14+$0x10570] =	vst v3;
	(pc) =	sbr.rel @p0 .LBB2_1-.Ltmp1, $4  }
0x123: {  	[hbm4b:s10+s2] =	stream.linear.scatter [tilespmem:s1], [sflag:$0x2], $0x4000, $0x38;
	[tilespmem:$0x14100] =	vst v63  }
0x124: {  	_ =	swait.ge [sflag:s12], $0x4000  }
0x125: {  	[sflag:s12] =	ssyncset.done $0x0  }
0x126: {  	[sflag:s12] =	ssyncadd.s32 $0xFFFFC000  }
0x127: {  	_ =	sfence.sel $0x180000  }
0x128: {  	[bflag:$0x0] =	sbarrier.arrive $0xFFFF  }
0x129: {  	_ =	strace $0x9000004A  }
0x12a: {  	s0 =	stileid.u32;
	[bflag:$0x2] =	sbarrier.arrive $0xFFFF  }
0x12b: {  	p0 =	sne.s32 s0, $0x0;
	s0 =	rddreg [dreg:$0x2]  }
0x12c: {  	s0 =	sadd.s32 @!p0 $0x100000, s0  }
0x12d: {  	[sflag:s0] =	ssyncadd.tile.s32 @!p0 $0x1;
	_ =	shalt  }
.Lfunc_end2:
_tile_overlayer_lowered:
.L_overlay_start_2:
0x12e: {  	(tag) =	ssettag $0x2  }
0x12f: {  	s0 =	rddreg [dreg:$0x0];
	s2 =	stileid.u32  }
0x130: {  	s1 =	rddreg [dreg:$0x1];
	p0 =	sne.s32 s2, $0x0  }
0x131: {  	s3 =	rddreg [dreg:$0x2];
	[bflag:$0x3] =	sbarrier.arrive $0xFFFF;
	s2 =	simm.s32 @!p0 $0x1C02  }
0x132: {  	[timem:s3], [sflag:s2] =	dma.local @!p0 [hbm:s0], s1  }
0x133: {  	s0 =	simm.s32 @!p0 $0x2  }
0x134: {  	_ =	swait.ge @!p0 [sflag:s0], s1  }
0x135: {  	s1 =	ssub.s32 @!p0 $0x0, s1;
	[sflag:s0] =	ssyncset.done @!p0 $0x0  }
0x136: {  	[sflag:s0] =	ssyncadd.s32 @!p0 s1  }
0x137: {  	[bflag:$0x3] =	sbarrier.arrive $0xFFFF  }
0x138: {  	_ =	shalt  }

</sc_bundles>
